<compile_context>
chip_gen: v7x
topology: tpu7x:2x2x1
jax: 0.10.2.dev20260603
libtpu: 0.0.44.dev20260713+nightly
codegen_flags: <defaults>
</compile_context>

<pallas_src>
import jax
import jax.numpy as jnp
from jax import lax
from jax.experimental import pallas as pl
from jax.experimental.pallas import tpu as pltpu
from jax.experimental.pallas import tpu_sc as plsc

NUM_CATEGORIES = 1000000
EMBEDDING_DIM = 32
BATCH = 16384
FIELDS = 26

NC = 2
NS = 16
NW = NC * NS

N_LOOKUPS = BATCH * FIELDS
PER_W = N_LOOKUPS // NW
CHUNK = 128
NCHUNK = PER_W // CHUNK
NBUF = 8
LOOKAHEAD = 6


def _emb_body(x_hbm, table_hbm, out_hbm, idx_v, rows_v, sem_g, sem_s):
    wid = lax.axis_index("s") * NC + lax.axis_index("c")
    base = wid * PER_W

    pltpu.sync_copy(x_hbm.at[wid], idx_v)

    def gather_start(j, slot):
        pltpu.async_copy(
            table_hbm.at[idx_v.at[j]], rows_v.at[slot], sem_g.at[slot]
        )

    def gather_wait(j, slot):
        pltpu.make_async_copy(
            table_hbm.at[idx_v.at[j]], rows_v.at[slot], sem_g.at[slot]
        ).wait()

    def store_start(j, slot):
        pltpu.async_copy(
            rows_v.at[slot], out_hbm.at[pl.ds(base + j * CHUNK, CHUNK)],
            sem_s.at[slot],
        )

    def store_wait(j, slot):
        pltpu.make_async_copy(
            rows_v.at[slot], out_hbm.at[pl.ds(base + j * CHUNK, CHUNK)],
            sem_s.at[slot],
        ).wait()

    for b in range(NBUF):
        gather_start(b, b)

    def loop_body(j, carry):
        m = j + LOOKAHEAD

        @pl.when(jnp.logical_and(m >= NBUF, m < NCHUNK))
        def _refill():
            slot = lax.rem(m, NBUF)
            store_wait(m - NBUF, slot)
            gather_start(m, slot)

        slot = lax.rem(j, NBUF)
        gather_wait(j, slot)
        store_start(j, slot)
        return carry

    lax.fori_loop(0, NCHUNK, loop_body, 0)

    for b in range(NBUF):
        j = NCHUNK - NBUF + b
        store_wait(j, j % NBUF)


def _embedding_lookup(x_w, table):
    mesh = plsc.VectorSubcoreMesh(core_axis_name="c", subcore_axis_name="s")
    f = pl.kernel(
        _emb_body,
        out_type=jax.ShapeDtypeStruct((N_LOOKUPS, EMBEDDING_DIM), jnp.float32),
        mesh=mesh,
        scratch_types=[
            pltpu.VMEM((NCHUNK, CHUNK), jnp.int32),
            pltpu.VMEM((NBUF, CHUNK, EMBEDDING_DIM), jnp.float32),
            pltpu.SemaphoreType.DMA((NBUF,)),
            pltpu.SemaphoreType.DMA((NBUF,)),
        ],
        compiler_params=pltpu.CompilerParams(use_tc_tiling_on_sc=False),
    )
    return f(x_w, table)


def kernel(x, table):
    x_flat = x.reshape(-1).astype(jnp.int32)
    x_w = x_flat.reshape(NW, NCHUNK, CHUNK)
    out = _embedding_lookup(x_w, table)
    return out.reshape(x.shape + (EMBEDDING_DIM,))

# --- scband reference (transcript-rebuilt; emitter-appended) ---
"""Pipeline reference for scband-categorical-embedding-29025388986644 (READ-ONLY COPY).

The authoritative reference and input builder live on the scoring server;
editing this copy changes nothing except your own understanding.
"""

import jax, jax.numpy as jnp
import numpy as np

NUM_CATEGORIES = 1000000
EMBEDDING_DIM = 32
BATCH = 16384
FIELDS = 26

def setup_inputs(seed: int = 0) -> dict:
    key = jax.random.key(seed)
    k_idx, k_tab = jax.random.split(key)
    x = jax.random.randint(k_idx, (BATCH, FIELDS), 0, NUM_CATEGORIES, dtype=jnp.int64 if jax.config.jax_enable_x64 else jnp.int32)
    table = jax.random.normal(k_tab, (NUM_CATEGORIES, EMBEDDING_DIM), dtype=jnp.float32)
    return {"x": x, "table": table}

def reference(x, table):
    # nn.Embedding forward: row gather from the embedding table
    return jnp.take(table, x, axis=0)

if __name__ == "__main__":
    import jax
    _d = setup_inputs()
    print(jax.jit(kernel)(*tuple(_d.values())))

</pallas_src>

<mosaic_0001>
#map = affine_map<(d0, d1) -> (0, 0, 0)>
#map1 = affine_map<(d0, d1) -> (0, 0)>
module attributes {stable_mosaic.version = 14 : i64} {
  func.func @_emb_body(%arg0: i32, %arg1: i32, %arg2: memref<32x104x128xi32, #tpu.memory_space<hbm>>, %arg3: memref<1000000x32xf32, #tpu.memory_space<hbm>>, %arg4: memref<425984x32xf32, #tpu.memory_space<hbm>>, %arg5: memref<104x128xi32, #tpu.memory_space<vmem>>, %arg6: memref<8x128x32xf32, #tpu.memory_space<vmem>>, %arg7: memref<8x!tpu.dma_semaphore, #tpu.memory_space<semaphore_mem>>, %arg8: memref<8x!tpu.dma_semaphore, #tpu.memory_space<semaphore_mem>>) attributes {dimension_semantics = [#tpu.dimension_semantics<core_parallel>, #tpu.dimension_semantics<subcore_parallel>], iteration_bounds = array<i64: 2, 16>, scalar_prefetch = 0 : i64, scratch_operands = 4 : i64, tpu.core_type = #tpu.core_type<sc_vector_subcore>, window_params = [{transform_indices = #map}, {transform_indices = #map1}, {transform_indices = #map1}]} {
    %mul3A = arith.constant 2 : i32
    %mul3A_0 = arith.muli %arg1, %mul3A : i32
    %add3A = arith.addi %mul3A_0, %arg0 : i32
    %mul3A_1 = arith.constant 13312 : i32
    %mul3A_2 = arith.muli %add3A, %mul3A_1 : i32
    "tpu.region"() ({
      %run_scoped3A = tpu.sem_alloc : memref<!tpu.dma_semaphore, #tpu.memory_space<semaphore_mem>>
      %dma_start3A_270 = arith.constant 0 : i32
      %dma_start3A_271 = arith.constant 0 : i32
      %dma_start3A_272 = tpu.memref_slice %arg2[%add3A, %dma_start3A_270, %dma_start3A_271] : memref<32x104x128xi32, #tpu.memory_space<hbm>> -> memref<1x104x128xi32, #tpu.memory_space<hbm>>
      %dma_start3A_273 = tpu.memref_squeeze %dma_start3A_272 : memref<1x104x128xi32, #tpu.memory_space<hbm>> -> memref<104x128xi32, #tpu.memory_space<hbm>>
      %dma_start3A_274 = arith.constant 0 : i32
      %dma_start3A_275 = arith.constant 0 : i32
      %dma_start3A_276 = tpu.memref_slice %arg2[%add3A, %dma_start3A_274, %dma_start3A_275] : memref<32x104x128xi32, #tpu.memory_space<hbm>> -> memref<1x104x128xi32, #tpu.memory_space<hbm>>
      %dma_start3A_277 = tpu.memref_squeeze %dma_start3A_276 : memref<1x104x128xi32, #tpu.memory_space<hbm>> -> memref<104x128xi32, #tpu.memory_space<hbm>>
      tpu.enqueue_dma source(%dma_start3A_277 : memref<104x128xi32, #tpu.memory_space<hbm>>) target(%arg5 : memref<104x128xi32, #tpu.memory_space<vmem>>) target_semaphore(%run_scoped3A : memref<!tpu.dma_semaphore, #tpu.memory_space<semaphore_mem>>)
      %dma_wait3A_278 = arith.constant 0 : i32
      %dma_wait3A_279 = arith.constant 0 : i32
      %dma_wait3A_280 = tpu.memref_slice %arg2[%add3A, %dma_wait3A_278, %dma_wait3A_279] : memref<32x104x128xi32, #tpu.memory_space<hbm>> -> memref<1x104x128xi32, #tpu.memory_space<hbm>>
      %dma_wait3A_281 = tpu.memref_squeeze %dma_wait3A_280 : memref<1x104x128xi32, #tpu.memory_space<hbm>> -> memref<104x128xi32, #tpu.memory_space<hbm>>
      %dma_wait3A_282 = arith.constant 0 : i32
      %dma_wait3A_283 = arith.constant 0 : i32
      %dma_wait3A_284 = tpu.memref_slice %arg2[%add3A, %dma_wait3A_282, %dma_wait3A_283] : memref<32x104x128xi32, #tpu.memory_space<hbm>> -> memref<1x104x128xi32, #tpu.memory_space<hbm>>
      %dma_wait3A_285 = tpu.memref_squeeze %dma_wait3A_284 : memref<1x104x128xi32, #tpu.memory_space<hbm>> -> memref<104x128xi32, #tpu.memory_space<hbm>>
      tpu.wait_dma2 semaphore(%run_scoped3A : memref<!tpu.dma_semaphore, #tpu.memory_space<semaphore_mem>>) src(%dma_wait3A_285 : memref<104x128xi32, #tpu.memory_space<hbm>>) dst(%arg5 : memref<104x128xi32, #tpu.memory_space<vmem>>)
      tpu.yield
    }) : () -> ()
    %dma_start3A = arith.constant 0 : i32
    %dma_start3A_3 = arith.constant 0 : i32
    %dma_start3A_4 = arith.constant 0 : i32
    %dma_start3A_5 = arith.constant 0 : i32
    %dma_start3A_6 = arith.constant 0 : i32
    %dma_start3A_7 = tpu.memref_slice %arg6[%dma_start3A_3, %dma_start3A_5, %dma_start3A_6] : memref<8x128x32xf32, #tpu.memory_space<vmem>> -> memref<1x128x32xf32, #tpu.memory_space<vmem>>
    %dma_start3A_8 = tpu.memref_squeeze %dma_start3A_7 : memref<1x128x32xf32, #tpu.memory_space<vmem>> -> memref<128x32xf32, #tpu.memory_space<vmem>>
    %dma_start3A_9 = arith.constant 0 : i32
    %dma_start3A_10 = tpu.memref_slice %arg5[%dma_start3A, %dma_start3A_9] : memref<104x128xi32, #tpu.memory_space<vmem>> -> memref<1x128xi32, #tpu.memory_space<vmem>>
    %dma_start3A_11 = tpu.memref_squeeze %dma_start3A_10 : memref<1x128xi32, #tpu.memory_space<vmem>> -> memref<128xi32, #tpu.memory_space<vmem>>
    %dma_start3A_12 = arith.constant 0 : i32
    %dma_start3A_13 = arith.constant 0 : i32
    %dma_start3A_14 = tpu.memref_slice %arg3[%dma_start3A_12, %dma_start3A_13] : memref<1000000x32xf32, #tpu.memory_space<hbm>> -> memref<1000000x32xf32, #tpu.memory_space<hbm>>
    %dma_start3A_15 = tpu.memref_slice %arg7[%dma_start3A_4] : memref<8x!tpu.dma_semaphore, #tpu.memory_space<semaphore_mem>> -> memref<1x!tpu.dma_semaphore, #tpu.memory_space<semaphore_mem>>
    %dma_start3A_16 = tpu.memref_squeeze %dma_start3A_15 : memref<1x!tpu.dma_semaphore, #tpu.memory_space<semaphore_mem>> -> memref<!tpu.dma_semaphore, #tpu.memory_space<semaphore_mem>>
    tpu.enqueue_indirect_dma source(%dma_start3A_14 : memref<1000000x32xf32, #tpu.memory_space<hbm>>) target(%dma_start3A_8 : memref<128x32xf32, #tpu.memory_space<vmem>>) offsets(%dma_start3A_11 : memref<128xi32, #tpu.memory_space<vmem>>) semaphore(%dma_start3A_16 : memref<!tpu.dma_semaphore, #tpu.memory_space<semaphore_mem>>)
    %dma_start3A_17 = arith.constant 1 : i32
    %dma_start3A_18 = arith.constant 1 : i32
    %dma_start3A_19 = arith.constant 1 : i32
    %dma_start3A_20 = arith.constant 0 : i32
    %dma_start3A_21 = arith.constant 0 : i32
    %dma_start3A_22 = tpu.memref_slice %arg6[%dma_start3A_18, %dma_start3A_20, %dma_start3A_21] : memref<8x128x32xf32, #tpu.memory_space<vmem>> -> memref<1x128x32xf32, #tpu.memory_space<vmem>>
    %dma_start3A_23 = tpu.memref_squeeze %dma_start3A_22 : memref<1x128x32xf32, #tpu.memory_space<vmem>> -> memref<128x32xf32, #tpu.memory_space<vmem>>
    %dma_start3A_24 = arith.constant 0 : i32
    %dma_start3A_25 = tpu.memref_slice %arg5[%dma_start3A_17, %dma_start3A_24] : memref<104x128xi32, #tpu.memory_space<vmem>> -> memref<1x128xi32, #tpu.memory_space<vmem>>
    %dma_start3A_26 = tpu.memref_squeeze %dma_start3A_25 : memref<1x128xi32, #tpu.memory_space<vmem>> -> memref<128xi32, #tpu.memory_space<vmem>>
    %dma_start3A_27 = arith.constant 0 : i32
    %dma_start3A_28 = arith.constant 0 : i32
    %dma_start3A_29 = tpu.memref_slice %arg3[%dma_start3A_27, %dma_start3A_28] : memref<1000000x32xf32, #tpu.memory_space<hbm>> -> memref<1000000x32xf32, #tpu.memory_space<hbm>>
    %dma_start3A_30 = tpu.memref_slice %arg7[%dma_start3A_19] : memref<8x!tpu.dma_semaphore, #tpu.memory_space<semaphore_mem>> -> memref<1x!tpu.dma_semaphore, #tpu.memory_space<semaphore_mem>>
    %dma_start3A_31 = tpu.memref_squeeze %dma_start3A_30 : memref<1x!tpu.dma_semaphore, #tpu.memory_space<semaphore_mem>> -> memref<!tpu.dma_semaphore, #tpu.memory_space<semaphore_mem>>
    tpu.enqueue_indirect_dma source(%dma_start3A_29 : memref<1000000x32xf32, #tpu.memory_space<hbm>>) target(%dma_start3A_23 : memref<128x32xf32, #tpu.memory_space<vmem>>) offsets(%dma_start3A_26 : memref<128xi32, #tpu.memory_space<vmem>>) semaphore(%dma_start3A_31 : memref<!tpu.dma_semaphore, #tpu.memory_space<semaphore_mem>>)
    %dma_start3A_32 = arith.constant 2 : i32
    %dma_start3A_33 = arith.constant 2 : i32
    %dma_start3A_34 = arith.constant 2 : i32
    %dma_start3A_35 = arith.constant 0 : i32
    %dma_start3A_36 = arith.constant 0 : i32
    %dma_start3A_37 = tpu.memref_slice %arg6[%dma_start3A_33, %dma_start3A_35, %dma_start3A_36] : memref<8x128x32xf32, #tpu.memory_space<vmem>> -> memref<1x128x32xf32, #tpu.memory_space<vmem>>
    %dma_start3A_38 = tpu.memref_squeeze %dma_start3A_37 : memref<1x128x32xf32, #tpu.memory_space<vmem>> -> memref<128x32xf32, #tpu.memory_space<vmem>>
    %dma_start3A_39 = arith.constant 0 : i32
    %dma_start3A_40 = tpu.memref_slice %arg5[%dma_start3A_32, %dma_start3A_39] : memref<104x128xi32, #tpu.memory_space<vmem>> -> memref<1x128xi32, #tpu.memory_space<vmem>>
    %dma_start3A_41 = tpu.memref_squeeze %dma_start3A_40 : memref<1x128xi32, #tpu.memory_space<vmem>> -> memref<128xi32, #tpu.memory_space<vmem>>
    %dma_start3A_42 = arith.constant 0 : i32
    %dma_start3A_43 = arith.constant 0 : i32
    %dma_start3A_44 = tpu.memref_slice %arg3[%dma_start3A_42, %dma_start3A_43] : memref<1000000x32xf32, #tpu.memory_space<hbm>> -> memref<1000000x32xf32, #tpu.memory_space<hbm>>
    %dma_start3A_45 = tpu.memref_slice %arg7[%dma_start3A_34] : memref<8x!tpu.dma_semaphore, #tpu.memory_space<semaphore_mem>> -> memref<1x!tpu.dma_semaphore, #tpu.memory_space<semaphore_mem>>
    %dma_start3A_46 = tpu.memref_squeeze %dma_start3A_45 : memref<1x!tpu.dma_semaphore, #tpu.memory_space<semaphore_mem>> -> memref<!tpu.dma_semaphore, #tpu.memory_space<semaphore_mem>>
    tpu.enqueue_indirect_dma source(%dma_start3A_44 : memref<1000000x32xf32, #tpu.memory_space<hbm>>) target(%dma_start3A_38 : memref<128x32xf32, #tpu.memory_space<vmem>>) offsets(%dma_start3A_41 : memref<128xi32, #tpu.memory_space<vmem>>) semaphore(%dma_start3A_46 : memref<!tpu.dma_semaphore, #tpu.memory_space<semaphore_mem>>)
    %dma_start3A_47 = arith.constant 3 : i32
    %dma_start3A_48 = arith.constant 3 : i32
    %dma_start3A_49 = arith.constant 3 : i32
    %dma_start3A_50 = arith.constant 0 : i32
    %dma_start3A_51 = arith.constant 0 : i32
    %dma_start3A_52 = tpu.memref_slice %arg6[%dma_start3A_48, %dma_start3A_50, %dma_start3A_51] : memref<8x128x32xf32, #tpu.memory_space<vmem>> -> memref<1x128x32xf32, #tpu.memory_space<vmem>>
    %dma_start3A_53 = tpu.memref_squeeze %dma_start3A_52 : memref<1x128x32xf32, #tpu.memory_space<vmem>> -> memref<128x32xf32, #tpu.memory_space<vmem>>
    %dma_start3A_54 = arith.constant 0 : i32
    %dma_start3A_55 = tpu.memref_slice %arg5[%dma_start3A_47, %dma_start3A_54] : memref<104x128xi32, #tpu.memory_space<vmem>> -> memref<1x128xi32, #tpu.memory_space<vmem>>
    %dma_start3A_56 = tpu.memref_squeeze %dma_start3A_55 : memref<1x128xi32, #tpu.memory_space<vmem>> -> memref<128xi32, #tpu.memory_space<vmem>>
    %dma_start3A_57 = arith.constant 0 : i32
    %dma_start3A_58 = arith.constant 0 : i32
    %dma_start3A_59 = tpu.memref_slice %arg3[%dma_start3A_57, %dma_start3A_58] : memref<1000000x32xf32, #tpu.memory_space<hbm>> -> memref<1000000x32xf32, #tpu.memory_space<hbm>>
    %dma_start3A_60 = tpu.memref_slice %arg7[%dma_start3A_49] : memref<8x!tpu.dma_semaphore, #tpu.memory_space<semaphore_mem>> -> memref<1x!tpu.dma_semaphore, #tpu.memory_space<semaphore_mem>>
    %dma_start3A_61 = tpu.memref_squeeze %dma_start3A_60 : memref<1x!tpu.dma_semaphore, #tpu.memory_space<semaphore_mem>> -> memref<!tpu.dma_semaphore, #tpu.memory_space<semaphore_mem>>
    tpu.enqueue_indirect_dma source(%dma_start3A_59 : memref<1000000x32xf32, #tpu.memory_space<hbm>>) target(%dma_start3A_53 : memref<128x32xf32, #tpu.memory_space<vmem>>) offsets(%dma_start3A_56 : memref<128xi32, #tpu.memory_space<vmem>>) semaphore(%dma_start3A_61 : memref<!tpu.dma_semaphore, #tpu.memory_space<semaphore_mem>>)
    %dma_start3A_62 = arith.constant 4 : i32
    %dma_start3A_63 = arith.constant 4 : i32
    %dma_start3A_64 = arith.constant 4 : i32
    %dma_start3A_65 = arith.constant 0 : i32
    %dma_start3A_66 = arith.constant 0 : i32
    %dma_start3A_67 = tpu.memref_slice %arg6[%dma_start3A_63, %dma_start3A_65, %dma_start3A_66] : memref<8x128x32xf32, #tpu.memory_space<vmem>> -> memref<1x128x32xf32, #tpu.memory_space<vmem>>
    %dma_start3A_68 = tpu.memref_squeeze %dma_start3A_67 : memref<1x128x32xf32, #tpu.memory_space<vmem>> -> memref<128x32xf32, #tpu.memory_space<vmem>>
    %dma_start3A_69 = arith.constant 0 : i32
    %dma_start3A_70 = tpu.memref_slice %arg5[%dma_start3A_62, %dma_start3A_69] : memref<104x128xi32, #tpu.memory_space<vmem>> -> memref<1x128xi32, #tpu.memory_space<vmem>>
    %dma_start3A_71 = tpu.memref_squeeze %dma_start3A_70 : memref<1x128xi32, #tpu.memory_space<vmem>> -> memref<128xi32, #tpu.memory_space<vmem>>
    %dma_start3A_72 = arith.constant 0 : i32
    %dma_start3A_73 = arith.constant 0 : i32
    %dma_start3A_74 = tpu.memref_slice %arg3[%dma_start3A_72, %dma_start3A_73] : memref<1000000x32xf32, #tpu.memory_space<hbm>> -> memref<1000000x32xf32, #tpu.memory_space<hbm>>
    %dma_start3A_75 = tpu.memref_slice %arg7[%dma_start3A_64] : memref<8x!tpu.dma_semaphore, #tpu.memory_space<semaphore_mem>> -> memref<1x!tpu.dma_semaphore, #tpu.memory_space<semaphore_mem>>
    %dma_start3A_76 = tpu.memref_squeeze %dma_start3A_75 : memref<1x!tpu.dma_semaphore, #tpu.memory_space<semaphore_mem>> -> memref<!tpu.dma_semaphore, #tpu.memory_space<semaphore_mem>>
    tpu.enqueue_indirect_dma source(%dma_start3A_74 : memref<1000000x32xf32, #tpu.memory_space<hbm>>) target(%dma_start3A_68 : memref<128x32xf32, #tpu.memory_space<vmem>>) offsets(%dma_start3A_71 : memref<128xi32, #tpu.memory_space<vmem>>) semaphore(%dma_start3A_76 : memref<!tpu.dma_semaphore, #tpu.memory_space<semaphore_mem>>)
    %dma_start3A_77 = arith.constant 5 : i32
    %dma_start3A_78 = arith.constant 5 : i32
    %dma_start3A_79 = arith.constant 5 : i32
    %dma_start3A_80 = arith.constant 0 : i32
    %dma_start3A_81 = arith.constant 0 : i32
    %dma_start3A_82 = tpu.memref_slice %arg6[%dma_start3A_78, %dma_start3A_80, %dma_start3A_81] : memref<8x128x32xf32, #tpu.memory_space<vmem>> -> memref<1x128x32xf32, #tpu.memory_space<vmem>>
    %dma_start3A_83 = tpu.memref_squeeze %dma_start3A_82 : memref<1x128x32xf32, #tpu.memory_space<vmem>> -> memref<128x32xf32, #tpu.memory_space<vmem>>
    %dma_start3A_84 = arith.constant 0 : i32
    %dma_start3A_85 = tpu.memref_slice %arg5[%dma_start3A_77, %dma_start3A_84] : memref<104x128xi32, #tpu.memory_space<vmem>> -> memref<1x128xi32, #tpu.memory_space<vmem>>
    %dma_start3A_86 = tpu.memref_squeeze %dma_start3A_85 : memref<1x128xi32, #tpu.memory_space<vmem>> -> memref<128xi32, #tpu.memory_space<vmem>>
    %dma_start3A_87 = arith.constant 0 : i32
    %dma_start3A_88 = arith.constant 0 : i32
    %dma_start3A_89 = tpu.memref_slice %arg3[%dma_start3A_87, %dma_start3A_88] : memref<1000000x32xf32, #tpu.memory_space<hbm>> -> memref<1000000x32xf32, #tpu.memory_space<hbm>>
    %dma_start3A_90 = tpu.memref_slice %arg7[%dma_start3A_79] : memref<8x!tpu.dma_semaphore, #tpu.memory_space<semaphore_mem>> -> memref<1x!tpu.dma_semaphore, #tpu.memory_space<semaphore_mem>>
    %dma_start3A_91 = tpu.memref_squeeze %dma_start3A_90 : memref<1x!tpu.dma_semaphore, #tpu.memory_space<semaphore_mem>> -> memref<!tpu.dma_semaphore, #tpu.memory_space<semaphore_mem>>
    tpu.enqueue_indirect_dma source(%dma_start3A_89 : memref<1000000x32xf32, #tpu.memory_space<hbm>>) target(%dma_start3A_83 : memref<128x32xf32, #tpu.memory_space<vmem>>) offsets(%dma_start3A_86 : memref<128xi32, #tpu.memory_space<vmem>>) semaphore(%dma_start3A_91 : memref<!tpu.dma_semaphore, #tpu.memory_space<semaphore_mem>>)
    %dma_start3A_92 = arith.constant 6 : i32
    %dma_start3A_93 = arith.constant 6 : i32
    %dma_start3A_94 = arith.constant 6 : i32
    %dma_start3A_95 = arith.constant 0 : i32
    %dma_start3A_96 = arith.constant 0 : i32
    %dma_start3A_97 = tpu.memref_slice %arg6[%dma_start3A_93, %dma_start3A_95, %dma_start3A_96] : memref<8x128x32xf32, #tpu.memory_space<vmem>> -> memref<1x128x32xf32, #tpu.memory_space<vmem>>
    %dma_start3A_98 = tpu.memref_squeeze %dma_start3A_97 : memref<1x128x32xf32, #tpu.memory_space<vmem>> -> memref<128x32xf32, #tpu.memory_space<vmem>>
    %dma_start3A_99 = arith.constant 0 : i32
    %dma_start3A_100 = tpu.memref_slice %arg5[%dma_start3A_92, %dma_start3A_99] : memref<104x128xi32, #tpu.memory_space<vmem>> -> memref<1x128xi32, #tpu.memory_space<vmem>>
    %dma_start3A_101 = tpu.memref_squeeze %dma_start3A_100 : memref<1x128xi32, #tpu.memory_space<vmem>> -> memref<128xi32, #tpu.memory_space<vmem>>
    %dma_start3A_102 = arith.constant 0 : i32
    %dma_start3A_103 = arith.constant 0 : i32
    %dma_start3A_104 = tpu.memref_slice %arg3[%dma_start3A_102, %dma_start3A_103] : memref<1000000x32xf32, #tpu.memory_space<hbm>> -> memref<1000000x32xf32, #tpu.memory_space<hbm>>
    %dma_start3A_105 = tpu.memref_slice %arg7[%dma_start3A_94] : memref<8x!tpu.dma_semaphore, #tpu.memory_space<semaphore_mem>> -> memref<1x!tpu.dma_semaphore, #tpu.memory_space<semaphore_mem>>
    %dma_start3A_106 = tpu.memref_squeeze %dma_start3A_105 : memref<1x!tpu.dma_semaphore, #tpu.memory_space<semaphore_mem>> -> memref<!tpu.dma_semaphore, #tpu.memory_space<semaphore_mem>>
    tpu.enqueue_indirect_dma source(%dma_start3A_104 : memref<1000000x32xf32, #tpu.memory_space<hbm>>) target(%dma_start3A_98 : memref<128x32xf32, #tpu.memory_space<vmem>>) offsets(%dma_start3A_101 : memref<128xi32, #tpu.memory_space<vmem>>) semaphore(%dma_start3A_106 : memref<!tpu.dma_semaphore, #tpu.memory_space<semaphore_mem>>)
    %dma_start3A_107 = arith.constant 7 : i32
    %dma_start3A_108 = arith.constant 7 : i32
    %dma_start3A_109 = arith.constant 7 : i32
    %dma_start3A_110 = arith.constant 0 : i32
    %dma_start3A_111 = arith.constant 0 : i32
    %dma_start3A_112 = tpu.memref_slice %arg6[%dma_start3A_108, %dma_start3A_110, %dma_start3A_111] : memref<8x128x32xf32, #tpu.memory_space<vmem>> -> memref<1x128x32xf32, #tpu.memory_space<vmem>>
    %dma_start3A_113 = tpu.memref_squeeze %dma_start3A_112 : memref<1x128x32xf32, #tpu.memory_space<vmem>> -> memref<128x32xf32, #tpu.memory_space<vmem>>
    %dma_start3A_114 = arith.constant 0 : i32
    %dma_start3A_115 = tpu.memref_slice %arg5[%dma_start3A_107, %dma_start3A_114] : memref<104x128xi32, #tpu.memory_space<vmem>> -> memref<1x128xi32, #tpu.memory_space<vmem>>
    %dma_start3A_116 = tpu.memref_squeeze %dma_start3A_115 : memref<1x128xi32, #tpu.memory_space<vmem>> -> memref<128xi32, #tpu.memory_space<vmem>>
    %dma_start3A_117 = arith.constant 0 : i32
    %dma_start3A_118 = arith.constant 0 : i32
    %dma_start3A_119 = tpu.memref_slice %arg3[%dma_start3A_117, %dma_start3A_118] : memref<1000000x32xf32, #tpu.memory_space<hbm>> -> memref<1000000x32xf32, #tpu.memory_space<hbm>>
    %dma_start3A_120 = tpu.memref_slice %arg7[%dma_start3A_109] : memref<8x!tpu.dma_semaphore, #tpu.memory_space<semaphore_mem>> -> memref<1x!tpu.dma_semaphore, #tpu.memory_space<semaphore_mem>>
    %dma_start3A_121 = tpu.memref_squeeze %dma_start3A_120 : memref<1x!tpu.dma_semaphore, #tpu.memory_space<semaphore_mem>> -> memref<!tpu.dma_semaphore, #tpu.memory_space<semaphore_mem>>
    tpu.enqueue_indirect_dma source(%dma_start3A_119 : memref<1000000x32xf32, #tpu.memory_space<hbm>>) target(%dma_start3A_113 : memref<128x32xf32, #tpu.memory_space<vmem>>) offsets(%dma_start3A_116 : memref<128xi32, #tpu.memory_space<vmem>>) semaphore(%dma_start3A_121 : memref<!tpu.dma_semaphore, #tpu.memory_space<semaphore_mem>>)
    %scan3A = arith.constant 0 : i32
    %scan3A_122 = arith.constant 0 : i32
    %scan3A_123 = arith.constant 104 : i32
    %scan3A_124 = arith.addi %scan3A_122, %scan3A_123 : i32
    %scan3A_125 = arith.constant 1 : i32
    scf.for %scan3A_270 = %scan3A_122 to %scan3A_124 step %scan3A_125  : i32 {
      %add3A_271 = arith.constant 6 : i32
      %add3A_272 = arith.addi %scan3A_270, %add3A_271 : i32
      %ge3A = arith.constant 8 : i32
      %ge3A_273 = arith.cmpi sge, %add3A_272, %ge3A : i32
      %lt3A = arith.constant 104 : i32
      %lt3A_274 = arith.cmpi slt, %add3A_272, %lt3A : i32
      %and3A = arith.andi %ge3A_273, %lt3A_274 : i1
      %convert_element_type3A = arith.extui %and3A : i1 to i32
      %cond3A = arith.constant 0 : i32
      %cond3A_275 = arith.cmpi ne, %convert_element_type3A, %cond3A : i32
      scf.if %cond3A_275 {
        %rem3A_306 = arith.constant 8 : i32
        %rem3A_307 = arith.remsi %add3A_272, %rem3A_306 : i32
        %sub3A = arith.constant 8 : i32
        %sub3A_308 = arith.subi %add3A_272, %sub3A : i32
        %mul3A_309 = arith.constant 128 : i32
        %mul3A_310 = arith.muli %sub3A_308, %mul3A_309 : i32
        %add3A_311 = arith.addi %mul3A_2, %mul3A_310 : i32
        %dma_wait3A_312 = arith.constant 0 : i32
        %dma_wait3A_313 = arith.constant 0 : i32
        %dma_wait3A_314 = tpu.memref_slice %arg6[%rem3A_307, %dma_wait3A_312, %dma_wait3A_313] : memref<8x128x32xf32, #tpu.memory_space<vmem>> -> memref<1x128x32xf32, #tpu.memory_space<vmem>>
        %dma_wait3A_315 = tpu.memref_squeeze %dma_wait3A_314 : memref<1x128x32xf32, #tpu.memory_space<vmem>> -> memref<128x32xf32, #tpu.memory_space<vmem>>
        %dma_wait3A_316 = arith.constant 0 : i32
        %dma_wait3A_317 = tpu.memref_slice %arg4[%add3A_311, %dma_wait3A_316] : memref<425984x32xf32, #tpu.memory_space<hbm>> -> memref<128x32xf32, #tpu.memory_space<hbm>>
        %dma_wait3A_318 = tpu.memref_slice %arg8[%rem3A_307] : memref<8x!tpu.dma_semaphore, #tpu.memory_space<semaphore_mem>> -> memref<1x!tpu.dma_semaphore, #tpu.memory_space<semaphore_mem>>
        %dma_wait3A_319 = tpu.memref_squeeze %dma_wait3A_318 : memref<1x!tpu.dma_semaphore, #tpu.memory_space<semaphore_mem>> -> memref<!tpu.dma_semaphore, #tpu.memory_space<semaphore_mem>>
        %dma_wait3A_320 = arith.constant 0 : i32
        %dma_wait3A_321 = tpu.memref_slice %arg4[%add3A_311, %dma_wait3A_320] : memref<425984x32xf32, #tpu.memory_space<hbm>> -> memref<128x32xf32, #tpu.memory_space<hbm>>
        %dma_wait3A_322 = arith.constant 0 : i32
        %dma_wait3A_323 = arith.constant 0 : i32
        %dma_wait3A_324 = tpu.memref_slice %arg6[%rem3A_307, %dma_wait3A_322, %dma_wait3A_323] : memref<8x128x32xf32, #tpu.memory_space<vmem>> -> memref<1x128x32xf32, #tpu.memory_space<vmem>>
        %dma_wait3A_325 = tpu.memref_squeeze %dma_wait3A_324 : memref<1x128x32xf32, #tpu.memory_space<vmem>> -> memref<128x32xf32, #tpu.memory_space<vmem>>
        tpu.wait_dma2 semaphore(%dma_wait3A_319 : memref<!tpu.dma_semaphore, #tpu.memory_space<semaphore_mem>>) src(%dma_wait3A_325 : memref<128x32xf32, #tpu.memory_space<vmem>>) dst(%dma_wait3A_321 : memref<128x32xf32, #tpu.memory_space<hbm>>)
        %dma_start3A_326 = arith.constant 0 : i32
        %dma_start3A_327 = arith.constant 0 : i32
        %dma_start3A_328 = tpu.memref_slice %arg6[%rem3A_307, %dma_start3A_326, %dma_start3A_327] : memref<8x128x32xf32, #tpu.memory_space<vmem>> -> memref<1x128x32xf32, #tpu.memory_space<vmem>>
        %dma_start3A_329 = tpu.memref_squeeze %dma_start3A_328 : memref<1x128x32xf32, #tpu.memory_space<vmem>> -> memref<128x32xf32, #tpu.memory_space<vmem>>
        %dma_start3A_330 = arith.constant 0 : i32
        %dma_start3A_331 = tpu.memref_slice %arg5[%add3A_272, %dma_start3A_330] : memref<104x128xi32, #tpu.memory_space<vmem>> -> memref<1x128xi32, #tpu.memory_space<vmem>>
        %dma_start3A_332 = tpu.memref_squeeze %dma_start3A_331 : memref<1x128xi32, #tpu.memory_space<vmem>> -> memref<128xi32, #tpu.memory_space<vmem>>
        %dma_start3A_333 = arith.constant 0 : i32
        %dma_start3A_334 = arith.constant 0 : i32
        %dma_start3A_335 = tpu.memref_slice %arg3[%dma_start3A_333, %dma_start3A_334] : memref<1000000x32xf32, #tpu.memory_space<hbm>> -> memref<1000000x32xf32, #tpu.memory_space<hbm>>
        %dma_start3A_336 = tpu.memref_slice %arg7[%rem3A_307] : memref<8x!tpu.dma_semaphore, #tpu.memory_space<semaphore_mem>> -> memref<1x!tpu.dma_semaphore, #tpu.memory_space<semaphore_mem>>
        %dma_start3A_337 = tpu.memref_squeeze %dma_start3A_336 : memref<1x!tpu.dma_semaphore, #tpu.memory_space<semaphore_mem>> -> memref<!tpu.dma_semaphore, #tpu.memory_space<semaphore_mem>>
        tpu.enqueue_indirect_dma source(%dma_start3A_335 : memref<1000000x32xf32, #tpu.memory_space<hbm>>) target(%dma_start3A_329 : memref<128x32xf32, #tpu.memory_space<vmem>>) offsets(%dma_start3A_332 : memref<128xi32, #tpu.memory_space<vmem>>) semaphore(%dma_start3A_337 : memref<!tpu.dma_semaphore, #tpu.memory_space<semaphore_mem>>)
      } else {
      }
      %rem3A = arith.constant 8 : i32
      %rem3A_276 = arith.remsi %scan3A_270, %rem3A : i32
      %dma_wait3A_277 = arith.constant 0 : i32
      %dma_wait3A_278 = arith.constant 0 : i32
      %dma_wait3A_279 = tpu.memref_slice %arg6[%rem3A_276, %dma_wait3A_277, %dma_wait3A_278] : memref<8x128x32xf32, #tpu.memory_space<vmem>> -> memref<1x128x32xf32, #tpu.memory_space<vmem>>
      %dma_wait3A_280 = tpu.memref_squeeze %dma_wait3A_279 : memref<1x128x32xf32, #tpu.memory_space<vmem>> -> memref<128x32xf32, #tpu.memory_space<vmem>>
      %dma_wait3A_281 = arith.constant 0 : i32
      %dma_wait3A_282 = tpu.memref_slice %arg5[%scan3A_270, %dma_wait3A_281] : memref<104x128xi32, #tpu.memory_space<vmem>> -> memref<1x128xi32, #tpu.memory_space<vmem>>
      %dma_wait3A_283 = tpu.memref_squeeze %dma_wait3A_282 : memref<1x128xi32, #tpu.memory_space<vmem>> -> memref<128xi32, #tpu.memory_space<vmem>>
      %dma_wait3A_284 = arith.constant 0 : i32
      %dma_wait3A_285 = arith.constant 0 : i32
      %dma_wait3A_286 = tpu.memref_slice %arg3[%dma_wait3A_284, %dma_wait3A_285] : memref<1000000x32xf32, #tpu.memory_space<hbm>> -> memref<1000000x32xf32, #tpu.memory_space<hbm>>
      %dma_wait3A_287 = tpu.memref_slice %arg7[%rem3A_276] : memref<8x!tpu.dma_semaphore, #tpu.memory_space<semaphore_mem>> -> memref<1x!tpu.dma_semaphore, #tpu.memory_space<semaphore_mem>>
      %dma_wait3A_288 = tpu.memref_squeeze %dma_wait3A_287 : memref<1x!tpu.dma_semaphore, #tpu.memory_space<semaphore_mem>> -> memref<!tpu.dma_semaphore, #tpu.memory_space<semaphore_mem>>
      tpu.wait_indirect_dma semaphore(%dma_wait3A_288 : memref<!tpu.dma_semaphore, #tpu.memory_space<semaphore_mem>>) src(%dma_wait3A_286 : memref<1000000x32xf32, #tpu.memory_space<hbm>>) dst(%dma_wait3A_280 : memref<128x32xf32, #tpu.memory_space<vmem>>)
      %mul3A_289 = arith.constant 128 : i32
      %mul3A_290 = arith.muli %scan3A_270, %mul3A_289 : i32
      %add3A_291 = arith.addi %mul3A_2, %mul3A_290 : i32
      %dma_start3A_292 = arith.constant 0 : i32
      %dma_start3A_293 = arith.constant 0 : i32
      %dma_start3A_294 = tpu.memref_slice %arg6[%rem3A_276, %dma_start3A_292, %dma_start3A_293] : memref<8x128x32xf32, #tpu.memory_space<vmem>> -> memref<1x128x32xf32, #tpu.memory_space<vmem>>
      %dma_start3A_295 = tpu.memref_squeeze %dma_start3A_294 : memref<1x128x32xf32, #tpu.memory_space<vmem>> -> memref<128x32xf32, #tpu.memory_space<vmem>>
      %dma_start3A_296 = arith.constant 0 : i32
      %dma_start3A_297 = tpu.memref_slice %arg4[%add3A_291, %dma_start3A_296] : memref<425984x32xf32, #tpu.memory_space<hbm>> -> memref<128x32xf32, #tpu.memory_space<hbm>>
      %dma_start3A_298 = tpu.memref_slice %arg8[%rem3A_276] : memref<8x!tpu.dma_semaphore, #tpu.memory_space<semaphore_mem>> -> memref<1x!tpu.dma_semaphore, #tpu.memory_space<semaphore_mem>>
      %dma_start3A_299 = tpu.memref_squeeze %dma_start3A_298 : memref<1x!tpu.dma_semaphore, #tpu.memory_space<semaphore_mem>> -> memref<!tpu.dma_semaphore, #tpu.memory_space<semaphore_mem>>
      %dma_start3A_300 = arith.constant 0 : i32
      %dma_start3A_301 = tpu.memref_slice %arg4[%add3A_291, %dma_start3A_300] : memref<425984x32xf32, #tpu.memory_space<hbm>> -> memref<128x32xf32, #tpu.memory_space<hbm>>
      %dma_start3A_302 = arith.constant 0 : i32
      %dma_start3A_303 = arith.constant 0 : i32
      %dma_start3A_304 = tpu.memref_slice %arg6[%rem3A_276, %dma_start3A_302, %dma_start3A_303] : memref<8x128x32xf32, #tpu.memory_space<vmem>> -> memref<1x128x32xf32, #tpu.memory_space<vmem>>
      %dma_start3A_305 = tpu.memref_squeeze %dma_start3A_304 : memref<1x128x32xf32, #tpu.memory_space<vmem>> -> memref<128x32xf32, #tpu.memory_space<vmem>>
      tpu.enqueue_dma source(%dma_start3A_305 : memref<128x32xf32, #tpu.memory_space<vmem>>) target(%dma_start3A_301 : memref<128x32xf32, #tpu.memory_space<hbm>>) target_semaphore(%dma_start3A_299 : memref<!tpu.dma_semaphore, #tpu.memory_space<semaphore_mem>>)
    }
    %scan3A_126 = arith.constant 104 : i32
    %add3A_127 = arith.constant 12288 : i32
    %add3A_128 = arith.addi %mul3A_2, %add3A_127 : i32
    %dma_wait3A = arith.constant 0 : i32
    %dma_wait3A_129 = arith.constant 0 : i32
    %dma_wait3A_130 = arith.constant 0 : i32
    %dma_wait3A_131 = arith.constant 0 : i32
    %dma_wait3A_132 = tpu.memref_slice %arg6[%dma_wait3A, %dma_wait3A_130, %dma_wait3A_131] : memref<8x128x32xf32, #tpu.memory_space<vmem>> -> memref<1x128x32xf32, #tpu.memory_space<vmem>>
    %dma_wait3A_133 = tpu.memref_squeeze %dma_wait3A_132 : memref<1x128x32xf32, #tpu.memory_space<vmem>> -> memref<128x32xf32, #tpu.memory_space<vmem>>
    %dma_wait3A_134 = arith.constant 0 : i32
    %dma_wait3A_135 = tpu.memref_slice %arg4[%add3A_128, %dma_wait3A_134] : memref<425984x32xf32, #tpu.memory_space<hbm>> -> memref<128x32xf32, #tpu.memory_space<hbm>>
    %dma_wait3A_136 = tpu.memref_slice %arg8[%dma_wait3A_129] : memref<8x!tpu.dma_semaphore, #tpu.memory_space<semaphore_mem>> -> memref<1x!tpu.dma_semaphore, #tpu.memory_space<semaphore_mem>>
    %dma_wait3A_137 = tpu.memref_squeeze %dma_wait3A_136 : memref<1x!tpu.dma_semaphore, #tpu.memory_space<semaphore_mem>> -> memref<!tpu.dma_semaphore, #tpu.memory_space<semaphore_mem>>
    %dma_wait3A_138 = arith.constant 0 : i32
    %dma_wait3A_139 = tpu.memref_slice %arg4[%add3A_128, %dma_wait3A_138] : memref<425984x32xf32, #tpu.memory_space<hbm>> -> memref<128x32xf32, #tpu.memory_space<hbm>>
    %dma_wait3A_140 = arith.constant 0 : i32
    %dma_wait3A_141 = arith.constant 0 : i32
    %dma_wait3A_142 = tpu.memref_slice %arg6[%dma_wait3A, %dma_wait3A_140, %dma_wait3A_141] : memref<8x128x32xf32, #tpu.memory_space<vmem>> -> memref<1x128x32xf32, #tpu.memory_space<vmem>>
    %dma_wait3A_143 = tpu.memref_squeeze %dma_wait3A_142 : memref<1x128x32xf32, #tpu.memory_space<vmem>> -> memref<128x32xf32, #tpu.memory_space<vmem>>
    tpu.wait_dma2 semaphore(%dma_wait3A_137 : memref<!tpu.dma_semaphore, #tpu.memory_space<semaphore_mem>>) src(%dma_wait3A_143 : memref<128x32xf32, #tpu.memory_space<vmem>>) dst(%dma_wait3A_139 : memref<128x32xf32, #tpu.memory_space<hbm>>)
    %add3A_144 = arith.constant 12416 : i32
    %add3A_145 = arith.addi %mul3A_2, %add3A_144 : i32
    %dma_wait3A_146 = arith.constant 1 : i32
    %dma_wait3A_147 = arith.constant 1 : i32
    %dma_wait3A_148 = arith.constant 0 : i32
    %dma_wait3A_149 = arith.constant 0 : i32
    %dma_wait3A_150 = tpu.memref_slice %arg6[%dma_wait3A_146, %dma_wait3A_148, %dma_wait3A_149] : memref<8x128x32xf32, #tpu.memory_space<vmem>> -> memref<1x128x32xf32, #tpu.memory_space<vmem>>
    %dma_wait3A_151 = tpu.memref_squeeze %dma_wait3A_150 : memref<1x128x32xf32, #tpu.memory_space<vmem>> -> memref<128x32xf32, #tpu.memory_space<vmem>>
    %dma_wait3A_152 = arith.constant 0 : i32
    %dma_wait3A_153 = tpu.memref_slice %arg4[%add3A_145, %dma_wait3A_152] : memref<425984x32xf32, #tpu.memory_space<hbm>> -> memref<128x32xf32, #tpu.memory_space<hbm>>
    %dma_wait3A_154 = tpu.memref_slice %arg8[%dma_wait3A_147] : memref<8x!tpu.dma_semaphore, #tpu.memory_space<semaphore_mem>> -> memref<1x!tpu.dma_semaphore, #tpu.memory_space<semaphore_mem>>
    %dma_wait3A_155 = tpu.memref_squeeze %dma_wait3A_154 : memref<1x!tpu.dma_semaphore, #tpu.memory_space<semaphore_mem>> -> memref<!tpu.dma_semaphore, #tpu.memory_space<semaphore_mem>>
    %dma_wait3A_156 = arith.constant 0 : i32
    %dma_wait3A_157 = tpu.memref_slice %arg4[%add3A_145, %dma_wait3A_156] : memref<425984x32xf32, #tpu.memory_space<hbm>> -> memref<128x32xf32, #tpu.memory_space<hbm>>
    %dma_wait3A_158 = arith.constant 0 : i32
    %dma_wait3A_159 = arith.constant 0 : i32
    %dma_wait3A_160 = tpu.memref_slice %arg6[%dma_wait3A_146, %dma_wait3A_158, %dma_wait3A_159] : memref<8x128x32xf32, #tpu.memory_space<vmem>> -> memref<1x128x32xf32, #tpu.memory_space<vmem>>
    %dma_wait3A_161 = tpu.memref_squeeze %dma_wait3A_160 : memref<1x128x32xf32, #tpu.memory_space<vmem>> -> memref<128x32xf32, #tpu.memory_space<vmem>>
    tpu.wait_dma2 semaphore(%dma_wait3A_155 : memref<!tpu.dma_semaphore, #tpu.memory_space<semaphore_mem>>) src(%dma_wait3A_161 : memref<128x32xf32, #tpu.memory_space<vmem>>) dst(%dma_wait3A_157 : memref<128x32xf32, #tpu.memory_space<hbm>>)
    %add3A_162 = arith.constant 12544 : i32
    %add3A_163 = arith.addi %mul3A_2, %add3A_162 : i32
    %dma_wait3A_164 = arith.constant 2 : i32
    %dma_wait3A_165 = arith.constant 2 : i32
    %dma_wait3A_166 = arith.constant 0 : i32
    %dma_wait3A_167 = arith.constant 0 : i32
    %dma_wait3A_168 = tpu.memref_slice %arg6[%dma_wait3A_164, %dma_wait3A_166, %dma_wait3A_167] : memref<8x128x32xf32, #tpu.memory_space<vmem>> -> memref<1x128x32xf32, #tpu.memory_space<vmem>>
    %dma_wait3A_169 = tpu.memref_squeeze %dma_wait3A_168 : memref<1x128x32xf32, #tpu.memory_space<vmem>> -> memref<128x32xf32, #tpu.memory_space<vmem>>
    %dma_wait3A_170 = arith.constant 0 : i32
    %dma_wait3A_171 = tpu.memref_slice %arg4[%add3A_163, %dma_wait3A_170] : memref<425984x32xf32, #tpu.memory_space<hbm>> -> memref<128x32xf32, #tpu.memory_space<hbm>>
    %dma_wait3A_172 = tpu.memref_slice %arg8[%dma_wait3A_165] : memref<8x!tpu.dma_semaphore, #tpu.memory_space<semaphore_mem>> -> memref<1x!tpu.dma_semaphore, #tpu.memory_space<semaphore_mem>>
    %dma_wait3A_173 = tpu.memref_squeeze %dma_wait3A_172 : memref<1x!tpu.dma_semaphore, #tpu.memory_space<semaphore_mem>> -> memref<!tpu.dma_semaphore, #tpu.memory_space<semaphore_mem>>
    %dma_wait3A_174 = arith.constant 0 : i32
    %dma_wait3A_175 = tpu.memref_slice %arg4[%add3A_163, %dma_wait3A_174] : memref<425984x32xf32, #tpu.memory_space<hbm>> -> memref<128x32xf32, #tpu.memory_space<hbm>>
    %dma_wait3A_176 = arith.constant 0 : i32
    %dma_wait3A_177 = arith.constant 0 : i32
    %dma_wait3A_178 = tpu.memref_slice %arg6[%dma_wait3A_164, %dma_wait3A_176, %dma_wait3A_177] : memref<8x128x32xf32, #tpu.memory_space<vmem>> -> memref<1x128x32xf32, #tpu.memory_space<vmem>>
    %dma_wait3A_179 = tpu.memref_squeeze %dma_wait3A_178 : memref<1x128x32xf32, #tpu.memory_space<vmem>> -> memref<128x32xf32, #tpu.memory_space<vmem>>
    tpu.wait_dma2 semaphore(%dma_wait3A_173 : memref<!tpu.dma_semaphore, #tpu.memory_space<semaphore_mem>>) src(%dma_wait3A_179 : memref<128x32xf32, #tpu.memory_space<vmem>>) dst(%dma_wait3A_175 : memref<128x32xf32, #tpu.memory_space<hbm>>)
    %add3A_180 = arith.constant 12672 : i32
    %add3A_181 = arith.addi %mul3A_2, %add3A_180 : i32
    %dma_wait3A_182 = arith.constant 3 : i32
    %dma_wait3A_183 = arith.constant 3 : i32
    %dma_wait3A_184 = arith.constant 0 : i32
    %dma_wait3A_185 = arith.constant 0 : i32
    %dma_wait3A_186 = tpu.memref_slice %arg6[%dma_wait3A_182, %dma_wait3A_184, %dma_wait3A_185] : memref<8x128x32xf32, #tpu.memory_space<vmem>> -> memref<1x128x32xf32, #tpu.memory_space<vmem>>
    %dma_wait3A_187 = tpu.memref_squeeze %dma_wait3A_186 : memref<1x128x32xf32, #tpu.memory_space<vmem>> -> memref<128x32xf32, #tpu.memory_space<vmem>>
    %dma_wait3A_188 = arith.constant 0 : i32
    %dma_wait3A_189 = tpu.memref_slice %arg4[%add3A_181, %dma_wait3A_188] : memref<425984x32xf32, #tpu.memory_space<hbm>> -> memref<128x32xf32, #tpu.memory_space<hbm>>
    %dma_wait3A_190 = tpu.memref_slice %arg8[%dma_wait3A_183] : memref<8x!tpu.dma_semaphore, #tpu.memory_space<semaphore_mem>> -> memref<1x!tpu.dma_semaphore, #tpu.memory_space<semaphore_mem>>
    %dma_wait3A_191 = tpu.memref_squeeze %dma_wait3A_190 : memref<1x!tpu.dma_semaphore, #tpu.memory_space<semaphore_mem>> -> memref<!tpu.dma_semaphore, #tpu.memory_space<semaphore_mem>>
    %dma_wait3A_192 = arith.constant 0 : i32
    %dma_wait3A_193 = tpu.memref_slice %arg4[%add3A_181, %dma_wait3A_192] : memref<425984x32xf32, #tpu.memory_space<hbm>> -> memref<128x32xf32, #tpu.memory_space<hbm>>
    %dma_wait3A_194 = arith.constant 0 : i32
    %dma_wait3A_195 = arith.constant 0 : i32
    %dma_wait3A_196 = tpu.memref_slice %arg6[%dma_wait3A_182, %dma_wait3A_194, %dma_wait3A_195] : memref<8x128x32xf32, #tpu.memory_space<vmem>> -> memref<1x128x32xf32, #tpu.memory_space<vmem>>
    %dma_wait3A_197 = tpu.memref_squeeze %dma_wait3A_196 : memref<1x128x32xf32, #tpu.memory_space<vmem>> -> memref<128x32xf32, #tpu.memory_space<vmem>>
    tpu.wait_dma2 semaphore(%dma_wait3A_191 : memref<!tpu.dma_semaphore, #tpu.memory_space<semaphore_mem>>) src(%dma_wait3A_197 : memref<128x32xf32, #tpu.memory_space<vmem>>) dst(%dma_wait3A_193 : memref<128x32xf32, #tpu.memory_space<hbm>>)
    %add3A_198 = arith.constant 12800 : i32
    %add3A_199 = arith.addi %mul3A_2, %add3A_198 : i32
    %dma_wait3A_200 = arith.constant 4 : i32
    %dma_wait3A_201 = arith.constant 4 : i32
    %dma_wait3A_202 = arith.constant 0 : i32
    %dma_wait3A_203 = arith.constant 0 : i32
    %dma_wait3A_204 = tpu.memref_slice %arg6[%dma_wait3A_200, %dma_wait3A_202, %dma_wait3A_203] : memref<8x128x32xf32, #tpu.memory_space<vmem>> -> memref<1x128x32xf32, #tpu.memory_space<vmem>>
    %dma_wait3A_205 = tpu.memref_squeeze %dma_wait3A_204 : memref<1x128x32xf32, #tpu.memory_space<vmem>> -> memref<128x32xf32, #tpu.memory_space<vmem>>
    %dma_wait3A_206 = arith.constant 0 : i32
    %dma_wait3A_207 = tpu.memref_slice %arg4[%add3A_199, %dma_wait3A_206] : memref<425984x32xf32, #tpu.memory_space<hbm>> -> memref<128x32xf32, #tpu.memory_space<hbm>>
    %dma_wait3A_208 = tpu.memref_slice %arg8[%dma_wait3A_201] : memref<8x!tpu.dma_semaphore, #tpu.memory_space<semaphore_mem>> -> memref<1x!tpu.dma_semaphore, #tpu.memory_space<semaphore_mem>>
    %dma_wait3A_209 = tpu.memref_squeeze %dma_wait3A_208 : memref<1x!tpu.dma_semaphore, #tpu.memory_space<semaphore_mem>> -> memref<!tpu.dma_semaphore, #tpu.memory_space<semaphore_mem>>
    %dma_wait3A_210 = arith.constant 0 : i32
    %dma_wait3A_211 = tpu.memref_slice %arg4[%add3A_199, %dma_wait3A_210] : memref<425984x32xf32, #tpu.memory_space<hbm>> -> memref<128x32xf32, #tpu.memory_space<hbm>>
    %dma_wait3A_212 = arith.constant 0 : i32
    %dma_wait3A_213 = arith.constant 0 : i32
    %dma_wait3A_214 = tpu.memref_slice %arg6[%dma_wait3A_200, %dma_wait3A_212, %dma_wait3A_213] : memref<8x128x32xf32, #tpu.memory_space<vmem>> -> memref<1x128x32xf32, #tpu.memory_space<vmem>>
    %dma_wait3A_215 = tpu.memref_squeeze %dma_wait3A_214 : memref<1x128x32xf32, #tpu.memory_space<vmem>> -> memref<128x32xf32, #tpu.memory_space<vmem>>
    tpu.wait_dma2 semaphore(%dma_wait3A_209 : memref<!tpu.dma_semaphore, #tpu.memory_space<semaphore_mem>>) src(%dma_wait3A_215 : memref<128x32xf32, #tpu.memory_space<vmem>>) dst(%dma_wait3A_211 : memref<128x32xf32, #tpu.memory_space<hbm>>)
    %add3A_216 = arith.constant 12928 : i32
    %add3A_217 = arith.addi %mul3A_2, %add3A_216 : i32
    %dma_wait3A_218 = arith.constant 5 : i32
    %dma_wait3A_219 = arith.constant 5 : i32
    %dma_wait3A_220 = arith.constant 0 : i32
    %dma_wait3A_221 = arith.constant 0 : i32
    %dma_wait3A_222 = tpu.memref_slice %arg6[%dma_wait3A_218, %dma_wait3A_220, %dma_wait3A_221] : memref<8x128x32xf32, #tpu.memory_space<vmem>> -> memref<1x128x32xf32, #tpu.memory_space<vmem>>
    %dma_wait3A_223 = tpu.memref_squeeze %dma_wait3A_222 : memref<1x128x32xf32, #tpu.memory_space<vmem>> -> memref<128x32xf32, #tpu.memory_space<vmem>>
    %dma_wait3A_224 = arith.constant 0 : i32
    %dma_wait3A_225 = tpu.memref_slice %arg4[%add3A_217, %dma_wait3A_224] : memref<425984x32xf32, #tpu.memory_space<hbm>> -> memref<128x32xf32, #tpu.memory_space<hbm>>
    %dma_wait3A_226 = tpu.memref_slice %arg8[%dma_wait3A_219] : memref<8x!tpu.dma_semaphore, #tpu.memory_space<semaphore_mem>> -> memref<1x!tpu.dma_semaphore, #tpu.memory_space<semaphore_mem>>
    %dma_wait3A_227 = tpu.memref_squeeze %dma_wait3A_226 : memref<1x!tpu.dma_semaphore, #tpu.memory_space<semaphore_mem>> -> memref<!tpu.dma_semaphore, #tpu.memory_space<semaphore_mem>>
    %dma_wait3A_228 = arith.constant 0 : i32
    %dma_wait3A_229 = tpu.memref_slice %arg4[%add3A_217, %dma_wait3A_228] : memref<425984x32xf32, #tpu.memory_space<hbm>> -> memref<128x32xf32, #tpu.memory_space<hbm>>
    %dma_wait3A_230 = arith.constant 0 : i32
    %dma_wait3A_231 = arith.constant 0 : i32
    %dma_wait3A_232 = tpu.memref_slice %arg6[%dma_wait3A_218, %dma_wait3A_230, %dma_wait3A_231] : memref<8x128x32xf32, #tpu.memory_space<vmem>> -> memref<1x128x32xf32, #tpu.memory_space<vmem>>
    %dma_wait3A_233 = tpu.memref_squeeze %dma_wait3A_232 : memref<1x128x32xf32, #tpu.memory_space<vmem>> -> memref<128x32xf32, #tpu.memory_space<vmem>>
    tpu.wait_dma2 semaphore(%dma_wait3A_227 : memref<!tpu.dma_semaphore, #tpu.memory_space<semaphore_mem>>) src(%dma_wait3A_233 : memref<128x32xf32, #tpu.memory_space<vmem>>) dst(%dma_wait3A_229 : memref<128x32xf32, #tpu.memory_space<hbm>>)
    %add3A_234 = arith.constant 13056 : i32
    %add3A_235 = arith.addi %mul3A_2, %add3A_234 : i32
    %dma_wait3A_236 = arith.constant 6 : i32
    %dma_wait3A_237 = arith.constant 6 : i32
    %dma_wait3A_238 = arith.constant 0 : i32
    %dma_wait3A_239 = arith.constant 0 : i32
    %dma_wait3A_240 = tpu.memref_slice %arg6[%dma_wait3A_236, %dma_wait3A_238, %dma_wait3A_239] : memref<8x128x32xf32, #tpu.memory_space<vmem>> -> memref<1x128x32xf32, #tpu.memory_space<vmem>>
    %dma_wait3A_241 = tpu.memref_squeeze %dma_wait3A_240 : memref<1x128x32xf32, #tpu.memory_space<vmem>> -> memref<128x32xf32, #tpu.memory_space<vmem>>
    %dma_wait3A_242 = arith.constant 0 : i32
    %dma_wait3A_243 = tpu.memref_slice %arg4[%add3A_235, %dma_wait3A_242] : memref<425984x32xf32, #tpu.memory_space<hbm>> -> memref<128x32xf32, #tpu.memory_space<hbm>>
    %dma_wait3A_244 = tpu.memref_slice %arg8[%dma_wait3A_237] : memref<8x!tpu.dma_semaphore, #tpu.memory_space<semaphore_mem>> -> memref<1x!tpu.dma_semaphore, #tpu.memory_space<semaphore_mem>>
    %dma_wait3A_245 = tpu.memref_squeeze %dma_wait3A_244 : memref<1x!tpu.dma_semaphore, #tpu.memory_space<semaphore_mem>> -> memref<!tpu.dma_semaphore, #tpu.memory_space<semaphore_mem>>
    %dma_wait3A_246 = arith.constant 0 : i32
    %dma_wait3A_247 = tpu.memref_slice %arg4[%add3A_235, %dma_wait3A_246] : memref<425984x32xf32, #tpu.memory_space<hbm>> -> memref<128x32xf32, #tpu.memory_space<hbm>>
    %dma_wait3A_248 = arith.constant 0 : i32
    %dma_wait3A_249 = arith.constant 0 : i32
    %dma_wait3A_250 = tpu.memref_slice %arg6[%dma_wait3A_236, %dma_wait3A_248, %dma_wait3A_249] : memref<8x128x32xf32, #tpu.memory_space<vmem>> -> memref<1x128x32xf32, #tpu.memory_space<vmem>>
    %dma_wait3A_251 = tpu.memref_squeeze %dma_wait3A_250 : memref<1x128x32xf32, #tpu.memory_space<vmem>> -> memref<128x32xf32, #tpu.memory_space<vmem>>
    tpu.wait_dma2 semaphore(%dma_wait3A_245 : memref<!tpu.dma_semaphore, #tpu.memory_space<semaphore_mem>>) src(%dma_wait3A_251 : memref<128x32xf32, #tpu.memory_space<vmem>>) dst(%dma_wait3A_247 : memref<128x32xf32, #tpu.memory_space<hbm>>)
    %add3A_252 = arith.constant 13184 : i32
    %add3A_253 = arith.addi %mul3A_2, %add3A_252 : i32
    %dma_wait3A_254 = arith.constant 7 : i32
    %dma_wait3A_255 = arith.constant 7 : i32
    %dma_wait3A_256 = arith.constant 0 : i32
    %dma_wait3A_257 = arith.constant 0 : i32
    %dma_wait3A_258 = tpu.memref_slice %arg6[%dma_wait3A_254, %dma_wait3A_256, %dma_wait3A_257] : memref<8x128x32xf32, #tpu.memory_space<vmem>> -> memref<1x128x32xf32, #tpu.memory_space<vmem>>
    %dma_wait3A_259 = tpu.memref_squeeze %dma_wait3A_258 : memref<1x128x32xf32, #tpu.memory_space<vmem>> -> memref<128x32xf32, #tpu.memory_space<vmem>>
    %dma_wait3A_260 = arith.constant 0 : i32
    %dma_wait3A_261 = tpu.memref_slice %arg4[%add3A_253, %dma_wait3A_260] : memref<425984x32xf32, #tpu.memory_space<hbm>> -> memref<128x32xf32, #tpu.memory_space<hbm>>
    %dma_wait3A_262 = tpu.memref_slice %arg8[%dma_wait3A_255] : memref<8x!tpu.dma_semaphore, #tpu.memory_space<semaphore_mem>> -> memref<1x!tpu.dma_semaphore, #tpu.memory_space<semaphore_mem>>
    %dma_wait3A_263 = tpu.memref_squeeze %dma_wait3A_262 : memref<1x!tpu.dma_semaphore, #tpu.memory_space<semaphore_mem>> -> memref<!tpu.dma_semaphore, #tpu.memory_space<semaphore_mem>>
    %dma_wait3A_264 = arith.constant 0 : i32
    %dma_wait3A_265 = tpu.memref_slice %arg4[%add3A_253, %dma_wait3A_264] : memref<425984x32xf32, #tpu.memory_space<hbm>> -> memref<128x32xf32, #tpu.memory_space<hbm>>
    %dma_wait3A_266 = arith.constant 0 : i32
    %dma_wait3A_267 = arith.constant 0 : i32
    %dma_wait3A_268 = tpu.memref_slice %arg6[%dma_wait3A_254, %dma_wait3A_266, %dma_wait3A_267] : memref<8x128x32xf32, #tpu.memory_space<vmem>> -> memref<1x128x32xf32, #tpu.memory_space<vmem>>
    %dma_wait3A_269 = tpu.memref_squeeze %dma_wait3A_268 : memref<1x128x32xf32, #tpu.memory_space<vmem>> -> memref<128x32xf32, #tpu.memory_space<vmem>>
    tpu.wait_dma2 semaphore(%dma_wait3A_263 : memref<!tpu.dma_semaphore, #tpu.memory_space<semaphore_mem>>) src(%dma_wait3A_269 : memref<128x32xf32, #tpu.memory_space<vmem>>) dst(%dma_wait3A_265 : memref<128x32xf32, #tpu.memory_space<hbm>>)
    return
  }
}

</mosaic_0001>

<sc_bundles>
// kernel: kernel.3.cloned.1.call-start
scs
__scs_entry_jumppad:
0x0: {  	(pc) =	sbr.rel $0x88, $3  }
0x1: {  	(tag) =	ssettag $0x0;
	lr =	simm.s32 $0x1  }
0x2: {  	[smem:$0x3F9F] =	sst lr;
	_ =	strace $0xD0000000  }
0x3: {  	_ = 	snop  }
0x4: {  	_ = 	snop  }
0x5: {  	_ = 	snop  }
0x6: {  	_ = 	snop  }
0x7: {  	_ = 	snop  }
__scs_overlays_trampoline_lowered:
0x8: {  	[smem:$0x3FAE] =	sst s0  }
0x9: {  	[smem:$0x3FAF] =	sst s1  }
0xa: {  	[smem:$0x3FB0] =	sst s2  }
0xb: {  	[smem:$0x3FB1] =	sst s3  }
0xc: {  	[smem:$0x3FB2] =	sst s4  }
0xd: {  	[smem:$0x3FB3] =	sst s5  }
0xe: {  	[smem:$0x3FB4] =	sst s6  }
0xf: {  	[smem:$0x3FB5] =	sst s7  }
0x10: {  	[smem:$0x3FB6] =	sst s8  }
0x11: {  	[smem:$0x3FB7] =	sst s9;
	s0 =	simm.s32 @!p0 $0x0  }
0x12: {  	s1 =	sld [smem:$0x3F9D];
	s0 =	simm.s32 @p0 $0x1  }
0x13: {  	[smem:$0x3FB8] =	sst s0;
	s0 =	simm.s32 @!p1 $0x0  }
0x14: {  	s2 =	sld [smem:$0x3F9C];
	s0 =	simm.s32 @p1 $0x1  }
0x15: {  	[smem:$0x3FB9] =	sst s0;
	s0 =	simm.s32 @!p2 $0x0  }
0x16: {  	s3 =	sld [smem:$0x3FDB];
	s0 =	simm.s32 @p2 $0x1  }
0x17: {  	s4 =	simm.s32 $0x1BF5;
	[smem:$0x3FBB] =	sst s0  }
0x18: {  	s0 =	sld [smem:$0x3F9E];
	_ =	swait.ge [sflag:s4], $0x0  }
0x19: {  	s7 =	sld [smem:$0x3F9F]  }
0x1a: {  	s8 =	sadd.s32 $0xFFFFE003, lr  }
0x1b: {  	s9 =	sadd.s32 $0xFFFFFEF7, lr;
	s5 =	simm.s32 $0xFFFFFFFF;
	p2 =	slt.u32 s8, $0xFFFFF086  }
0x1c: {  	p1 =	slt.u32 s9, $0xF7A;
	s5 =	simm.s32 @!p2 $0x0  }
0x1d: {  	s5 =	simm.s32 @p1 $0x1;
	p0 =	seq.s32 s7, s2  }
0x1e: {  	s7 =	smul.u32 @!p0 $0xF7A, s2;
	p2 =	seq.s32 @!p0 s5, $0x0  }
0x1f: {  	s9 =	smul.u32 $0xF7A, s1;
	s8 =	simm.s32 @!p0 $0x1BF5;
	p2 =	por !p2, p0  }
0x20: {  	[sflag:s8] =	ssyncset.s32 @!p0 $0xFFFFF086;
	s6 =	sadd.s32 @!p0 s3, s7;
	s7 =	simm.s32 @!p0 $0x108  }
0x21: {  	s3 =	sadd.s32 s3, s9;
	s6 =	sadd.s32 @!p0 $0x88, s6;
	s7 =	simm.s32 @p2 $0x1082  }
0x22: {  	[simem:s7], [sflag:s8] =	dma.local @!p0 [hbm:s6], $0xF7A  }
0x23: {  	s9 =	sor.u32 $0xD0000000, s2;
	s6 =	simm.s32 $0x108;
	_ =	swait.ge @!p0 [sflag:s8], $0x0  }
0x24: {  	s3 =	sadd.s32 $0x88, s3;
	s6 =	simm.s32 @!p1 $0x1082;
	[sflag:s4] =	ssyncset.s32 $0xFFFFF086  }
0x25: {  	[simem:s6], [sflag:s4] =	dma.local [hbm:s3], $0xF7A  }
0x26: {  	[smem:$0x3F9F] =	sst s1;
	(tag) =	ssettag s2;
	_ =	strace s9  }
0x27: {  	s1 =	sld [smem:$0x3FAF]  }
0x28: {  	s2 =	sld [smem:$0x3FB0]  }
0x29: {  	s4 =	sld [smem:$0x3FB2]  }
0x2a: {  	p0 =	seq.s32 s5, $0x0;
	s5 =	sld [smem:$0x3FB3]  }
0x2b: {  	s6 =	sld [smem:$0x3FB4]  }
0x2c: {  	s7 =	sld [smem:$0x3FB5]  }
0x2d: {  	s3 =	simm.s32 $0x108;
	s8 =	sld [smem:$0x3FB6]  }
0x2e: {  	s3 =	simm.s32 @!p0 $0x1082;
	s9 =	sld [smem:$0x3FB7]  }
0x2f: {  	lr =	sadd.s32 s0, s3;
	s0 =	sld [smem:$0x3FAE]  }
0x30: {  	s3 =	sld [smem:$0x3FB1]  }
0x31: {  	[smem:$0x3FBA] =	sst s10  }
0x32: {  	s10 =	sld [smem:$0x3FB8];
	_ =	sdelay $0x3  }
0x33: {  	p0 =	seq.s32 s10, $0x1;
	s10 =	sld [smem:$0x3FBA];
	_ =	sdelay $0x3  }
0x34: {  	[smem:$0x3FBA] =	sst s10  }
0x35: {  	s10 =	sld [smem:$0x3FB9];
	_ =	sdelay $0x3  }
0x36: {  	p1 =	seq.s32 s10, $0x1;
	s10 =	sld [smem:$0x3FBA];
	_ =	sdelay $0x3  }
0x37: {  	[smem:$0x3FBA] =	sst s10  }
0x38: {  	s10 =	sld [smem:$0x3FBB]  }
0x39: {  	_ = 	snop;
	(pc) =	sbr.ind lr, $3  }
0x3a: {  	_ = 	snop  }
0x3b: {  	_ = 	snop  }
0x3c: {  	p2 =	seq.s32 s10, $0x1;
	s10 =	sld [smem:$0x3FBA]  }
0x3d: {  	_ =	shalt  }
0x3e: {  	_ =	shalt  }
0x3f: {  	_ =	shalt  }
0x40: {  	_ =	shalt  }
0x41: {  	_ =	shalt  }
0x42: {  	_ =	shalt  }
0x43: {  	_ =	shalt  }
0x44: {  	_ =	shalt  }
0x45: {  	_ =	shalt  }
0x46: {  	_ =	shalt  }
0x47: {  	_ =	shalt  }
0x48: {  	_ =	shalt  }
0x49: {  	_ =	shalt  }
0x4a: {  	_ =	shalt  }
0x4b: {  	_ =	shalt  }
0x4c: {  	_ =	shalt  }
0x4d: {  	_ =	shalt  }
0x4e: {  	_ =	shalt  }
0x4f: {  	_ =	shalt  }
0x50: {  	_ =	shalt  }
0x51: {  	_ =	shalt  }
0x52: {  	_ =	shalt  }
0x53: {  	_ =	shalt  }
0x54: {  	_ =	shalt  }
0x55: {  	_ =	shalt  }
0x56: {  	_ =	shalt  }
0x57: {  	_ =	shalt  }
0x58: {  	_ =	shalt  }
0x59: {  	_ =	shalt  }
0x5a: {  	_ =	shalt  }
0x5b: {  	_ =	shalt  }
0x5c: {  	_ =	shalt  }
0x5d: {  	_ =	shalt  }
0x5e: {  	_ =	shalt  }
0x5f: {  	_ =	shalt  }
0x60: {  	_ =	shalt  }
0x61: {  	_ =	shalt  }
0x62: {  	_ =	shalt  }
0x63: {  	_ =	shalt  }
0x64: {  	_ =	shalt  }
0x65: {  	_ =	shalt  }
0x66: {  	_ =	shalt  }
0x67: {  	_ =	shalt  }
0x68: {  	_ =	shalt  }
0x69: {  	_ =	shalt  }
0x6a: {  	_ =	shalt  }
0x6b: {  	_ =	shalt  }
0x6c: {  	_ =	shalt  }
0x6d: {  	_ =	shalt  }
0x6e: {  	_ =	shalt  }
0x6f: {  	_ =	shalt  }
0x70: {  	_ =	shalt  }
0x71: {  	_ =	shalt  }
0x72: {  	_ =	shalt  }
0x73: {  	_ =	shalt  }
0x74: {  	_ =	shalt  }
0x75: {  	_ =	shalt  }
0x76: {  	_ =	shalt  }
0x77: {  	_ =	shalt  }
0x78: {  	_ =	shalt  }
0x79: {  	_ =	shalt  }
0x7a: {  	_ =	shalt  }
0x7b: {  	_ =	shalt  }
0x7c: {  	_ =	shalt  }
0x7d: {  	_ =	shalt  }
0x7e: {  	_ =	shalt  }
0x7f: {  	_ =	shalt  }
0x80: {  	_ =	shalt  }
0x81: {  	_ =	shalt  }
0x82: {  	_ =	shalt  }
0x83: {  	_ =	shalt  }
0x84: {  	_ =	shalt  }
0x85: {  	_ =	shalt  }
0x86: {  	_ =	shalt  }
0x87: {  	_ =	shalt  }
.Lfunc_end0:
.L_simem_size_0:
called_computation.1_lowered:
.L_overlay_start_0:
0x88: {  	s2 =	sld [smem:$0x3FD9]  }
0x89: {  	s3 =	sld [smem:$0x3FFE];
	_ =	sdelay $0x1  }
0x8a: {  	s1 =	srdreg.scid  }
0x8b: {  	s0 =	sand.u32 $0x1, s1  }
0x8c: {  	s17 =	sshll.u32 s0, $0xA;
	s2 =	sadd.s32 s3, s2  }
0x8d: {  	s2 =	sadd.s32 s2, s17  }
0x8e: {  	[smem:$0x3FC6] =	sst s2  }
0x8f: {  	_ = 	snop  }
0x90: {  	s2 =	sld [smem:$0x3FD0];
	(tm) =	ssettm $0x1  }
0x91: {  	s18 =	sld [smem:$0x3FFB];
	_ =	sdelay $0x3  }
0x92: {  	_ =	strace s18  }
0x93: {  	s3 =	sld [smem:$0x3FFC];
	_ =	sdelay $0x3  }
0x94: {  	_ =	strace s3  }
0x95: {  	s3 =	sld [smem:$0x3FFD];
	_ =	sdelay $0x3  }
0x96: {  	_ =	strace s3  }
0x97: {  	_ =	strace $0x8FFFFFFF  }
0x98: {  	s19 =	sld [smem:$0x3FDB];
	_ =	sdelay $0x1  }
0x99: {  	s4 =	simm.s32 $_scs_section_size  }
0x9a: {  	s5 =	simm.s32 $_size__tile_overlayer_lowered;
	s6 =	simm.s32 $_tile_overlayer_lowered  }
0x9b: {  	s22 =	simm.s32 $0x1BFF;
	s21 =	sshll.u32 s6, $0x1;
	s3 =	sadd.s32 s4, s19  }
0x9c: {  	s7 =	simm.s32 $0x0;
	s20 =	sshll.u32 s5, $0x1;
	s5 =	sadd.s32 s21, s3  }
0x9d: {  	[timem:s7], [sflag:s22] =	dma.local [hbm:s5], s20  }
0x9e: {  	_ =	swait.ge [sflag:s22], s20  }
0x9f: {  	s4 =	ssub.s32 $0x0, s20;
	[sflag:s22] =	ssyncset.done $0x0  }
0xa0: {  	[sflag:s22] =	ssyncadd.s32 s4;
	_ =	sdelay $0x1  }
0xa1: {  	s23 =	simm.s32 $0x1B8B  }
0xa2: {  	_ =	swait.ge [sflag:s23], $0x1  }
0xa3: {  	[sflag:s23] =	ssyncset.done $0x0  }
0xa4: {  	s25 =	simm.s32 $0x1B8E;
	s24 =	sld [smem:$0x3FFE];
	[sflag:s23] =	ssyncadd.s32 $0xFFFFFFFF  }
0xa5: {  	s26 =	simm.s32 $execute0_lowered;
	[smem:$0x3FD2] =	sst s25  }
0xa6: {  	s5 =	sshll.u32 s26, $0x1;
	_ =	strace $0x80000046;
	[dreg:$0x1] =	wrdreg $0xFFFFFFFF  }
0xa7: {  	s28 =	simm.s32 $_size_execute0_lowered;
	s3 =	sadd.s32 s3, s5;
	[dreg:$0x0] =	wrdreg $0x0  }
0xa8: {  	s5 =	sshll.u32 s28, $0x1;
	[dreg:$0x2] =	wrdreg s3  }
0xa9: {  	[dreg:$0x3] =	wrdreg s5  }
0xaa: {  	[dreg:$0x4] =	wrdreg $0xC0  }
0xab: {  	_ =	task [dreg:s7], $0x5FFFF  }
0xac: {  	[dreg:$0x1] =	wrdreg $0xFFFFFFFF  }
0xad: {  	[dreg:$0x0] =	wrdreg $0x60  }
0xae: {  	[dreg:$0x2] =	wrdreg s24  }
0xaf: {  	[dreg:$0x3] =	wrdreg s2  }
0xb0: {  	[dreg:$0x4] =	wrdreg $0x9  }
0xb1: {  	_ =	task.clear_ibuf [dreg:s7], $0x5FFFF;
	_ =	strace $0x90000046  }
0xb2: {  	s29 =	simm.s32 $0x9;
	_ =	strace $0x80000048  }
0xb3: {  	_ =	swait.ge [sflag:s29], $0x1  }
0xb4: {  	[sflag:s29] =	ssyncadd.s32 $0xFFFFFFFF  }
0xb5: {  	_ =	strace $0x90000048  }
0xb6: {  	_ =	sfence  }
0xb7: {  	s30 =	sld [smem:$0x0];
	_ =	sdelay $0x2  }
0xb8: {  	s31 =	sshll.u32 s1, $0xD;
	s1 =	sshrl.u32 s1, $0x2  }
0xb9: {  	s3 =	sand.u32 $0x4000, s31;
	s1 =	sadd.s32 s1, s30  }
0xba: {  	s0 =	sor.u32 s3, s0;
	s1 =	sshll.u32 s1, $0x11  }
0xbb: {  	s0 =	sor.u32 s1, s0  }
0xbc: {  	s0 =	sadd.s32 $0x8F2B, s0  }
0xbd: {  	[sflag:s0] =	ssyncadd.remote.s32 $0x1  }
0xbe: {  	_ =	sfence.sel $0xFFFF  }
0xbf: {  	[dreg:$0x0] =	wrdreg $0xFFFFFFFF;
	(pc) =	sbr.abs _section_cstart, $3  }
0xc0: {  	[dreg:$0x1] =	wrdreg $0xFFFFFFFF  }
0xc1: {  	_ =	task.clear_ibuf [dreg:s7], $0x2FFFF;
	_ =	strace $0x9FFFFFFF  }
0xc2: {  	(tm) =	ssettm $0x7FFFFFFF  }
0xc3: {  	_ =	shalt  }
tec
execute0_lowered:
.L_overlay_start_1:
0x0: {  	(tag) =	ssettag $0x1  }
0x1: {  	s0 =	srdreg.scid;
	s3 =	rddreg [dreg:$0x0]  }
0x2: {  	s4 =	stileid.u32;
	s6 =	rddreg [dreg:$0x1]  }
0x3: {  	s2 =	simm.s32 $0x0;
	s8 =	simm.s32 $0x80;
	s16 =	simm.s32 $0x7400  }
0x4: {  	s17 =	simm.s32 $0x280;
	s18 =	simm.s32 $0x8400;
	s19 =	simm.s32 $0x9400  }
0x5: {  	s20 =	simm.s32 $0x380;
	s21 =	simm.s32 $0xA400;
	s22 =	simm.s32 $0x9  }
0x6: {  	s23 =	simm.s32 $0xA;
	s24 =	simm.s32 $0xB;
	s25 =	simm.s32 $0xC  }
0x7: {  	s28 =	simm.s32 $0xE;
	s29 =	simm.s32 $0xF;
	s30 =	simm.s32 $0x10  }
0x8: {  	s0 =	sand.u32 $0x1, s0;
	s1 =	sshll.u32 s4, $0x1;
	s4 =	smul.u32 $0xD0000, s4  }
0x9: {  	s31 =	simm.s32 $0x0;
	s1 =	sor.u32 s0, s1;
	s5 =	smul.u32 $0x68000, s0  }
0xa: {  	[smem:$0x7FF] =	sst s2;
	s0 =	ssub.s32 $0x2, s0;
	s1 =	smul.u32 $0x680, s1  }
0xb: {  	_ =	strace $0x80000047;
	s7 =	sshrl.u32 s0, $0x1;
	s4 =	sadd.s32 s5, s4  }
0xc: {  	s0 =	ssub.s32 s0, s7;
	s7 =	simm.s32 $0x11;
	s1 =	sadd.s32 s1, s3  }
0xd: {  	s3 =	sadd.s32 $0xF42E00, s3;
	s26 =	sshrl.u32 s4, $0x3;
	s5 =	smax.u32 s0, $0x1  }
0xe: {  	s4 =	sadd.s32 $0xA00, s1;
	s10 =	sadd.s32 s26, s6;
	s26 =	simm.s32 $0xD  }
.LBB2_1:
0xf: {  	[tilespmem:s2], [sflag:$0x11] =	stream.linear.gather [hbm4b:s4+s2], $0x3400, $0x38;
	[tilespmem:$0xB400] =	vst v63  }
0x10: {  	_ =	swait.ge [sflag:s7], $0x3400  }
0x11: {  	[sflag:s7] =	ssyncset.done $0x0  }
0x12: {  	s0 =	simm.s32 $0x3400;
	[sflag:s7] =	ssyncadd.s32 $0xFFFFCC00  }
0x13: {  	[tilespmem:s0], [sflag:$0x1] =	stream.indirect.gather [hbm4b:s3+s8], $0x20, s2, s8, $0xb8;
	[tilespmem:$0xB400] =	vst v63  }
0x14: {  	s9 =	simm.s32 $0x4400  }
0x15: {  	[tilespmem:s9], [sflag:$0x2] =	stream.indirect.gather [hbm4b:s3+s8], $0x20, s8, s8, $0xb8;
	[tilespmem:$0xB400] =	vst v63  }
0x16: {  	s11 =	simm.s32 $0x100;
	s1 =	simm.s32 $0x5400  }
0x17: {  	[tilespmem:s1], [sflag:$0x3] =	stream.indirect.gather [hbm4b:s3+s8], $0x20, s11, s8, $0xb8;
	[tilespmem:$0xB400] =	vst v63  }
0x18: {  	s12 =	simm.s32 $0x180;
	s13 =	simm.s32 $0x6400;
	p0 =	por $0x1, $0x1  }
0x19: {  	[tilespmem:s13], [sflag:$0x4] =	stream.indirect.gather [hbm4b:s3+s8], $0x20, s12, s8, $0xb8;
	[tilespmem:$0xB400] =	vst v63  }
0x1a: {  	s14 =	simm.s32 $0x200;
	s1 =	simm.s32 @!p0 $0x6  }
0x1b: {  	[tilespmem:s16], [sflag:$0x5] =	stream.indirect.gather [hbm4b:s3+s8], $0x20, s14, s8, $0xb8;
	[tilespmem:$0xB400] =	vst v63  }
0x1c: {  	s1 =	sand.u32 @!p0 $0x7, s1  }
0x1d: {  	[tilespmem:s18], [sflag:$0x6] =	stream.indirect.gather [hbm4b:s3+s8], $0x20, s17, s8, $0xb8;
	[tilespmem:$0xB400] =	vst v63  }
0x1e: {  	s0 =	simm.s32 $0x300;
	s11 =	simm.s32 $0x0;
	s6 =	sadd.s32 @!p0 $0x9, s1  }
0x1f: {  	[tilespmem:s19], [sflag:$0x7] =	stream.indirect.gather [hbm4b:s3+s8], $0x20, s0, s8, $0xb8;
	[tilespmem:$0xB400] =	vst v63  }
0x20: {  	s9 =	sshll.u32 @!p0 s1, $0xC;
	s1 =	sadd.s32 @!p0 $0x1, s1;
	s12 =	sand.u32 $0x7, s11  }
0x21: {  	[tilespmem:s21], [sflag:$0x8] =	stream.indirect.gather [hbm4b:s3+s8], $0x20, s20, s8, $0xb8;
	[tilespmem:$0xB400] =	vst v63  }
0x22: {  	s9 =	sadd.s32 @!p0 $0x3400, s9;
	s11 =	sadd.s32 $0x1, s12;
	_ =	swait.ge @!p0 [sflag:s6], $0x1000  }
0x23: {  	s15 =	sshll.u32 s12, $0xC;
	s12 =	sadd.s32 $0x9, s12;
	[sflag:s6] =	ssyncset.done @!p0 $0x0  }
0x24: {  	s13 =	sadd.s32 $0x3400, s15;
	[sflag:s6] =	ssyncadd.s32 @!p0 $0xFFFFF000;
	s6 =	simm.s32 @!p0 $0x80  }
0x25: {  	[tilespmem:s9], [sflag:s1] =	stream.indirect.gather @!p0 [hbm4b:s3+s6], $0x20, s0, s6, $0xb8;
	[tilespmem:$0xB400] =	vst v63  }
0x26: {  	s1 =	simm.s32 $0xFFFFFFFF;
	s0 =	sadd.s32 $0x200, s10;
	_ =	swait.ge [sflag:s11], $0x1000  }
0x27: {  	s9 =	simm.s32 $0x380;
	s6 =	smov.u32 s10;
	[sflag:s11] =	ssyncset.done $0x0  }
.LBB2_2:
0x28: {  	p1 =	sgt.u32 s1, $0x5F  }
0x29: {  	[sflag:s11] =	ssyncadd.s32 $0xFFFFF000;
	s11 =	smov.u32 s1;
	s1 =	sadd.s32 $0x1, s1  }
0x2a: {  	[hbm4b:s6+s2] =	stream.linear.scatter [tilespmem:s13], [sflag:s12], $0x1000, $0x38;
	[tilespmem:$0xB400] =	vst v63  }
0x2b: {  	s12 =	sadd.s32 @!p1 $0x8, s11;
	p0 =	sne.s32 s1, $0x66;
	s6 =	smov.u32 s0  }
0x2c: {  	s12 =	sand.u32 @!p1 $0x7, s12  }
0x2d: {  	s13 =	sadd.s32 @!p1 $0x9, s12;
	s14 =	sshll.u32 @!p1 s12, $0xC;
	s12 =	sadd.s32 @!p1 $0x1, s12  }
0x2e: {  	s11 =	sadd.s32 $0x2, s11;
	s14 =	sadd.s32 @!p1 $0x3400, s14;
	_ =	swait.ge @!p1 [sflag:s13], $0x1000  }
0x2f: {  	s15 =	sand.u32 $0x7, s11;
	[sflag:s13] =	ssyncset.done @!p1 $0x0  }
.Ltmp0:
0x30: {  	[sflag:s13] =	ssyncadd.s32 @!p1 $0xFFFFF000;
	s13 =	simm.s32 @!p1 $0x80;
	(pc) =	sbr.rel @p0 .LBB2_2-.Ltmp0, $4  }
0x31: {  	[tilespmem:s14], [sflag:s12] =	stream.indirect.gather @!p1 [hbm4b:s3+s13], $0x20, s9, s13, $0xb8;
	[tilespmem:$0xB400] =	vst v63  }
0x32: {  	s11 =	sadd.s32 $0x1, s15;
	s13 =	sshll.u32 s15, $0xC  }
0x33: {  	s0 =	sadd.s32 $0x200, s0;
	s9 =	sadd.s32 $0x80, s9;
	_ =	swait.ge [sflag:s11], $0x1000  }
0x34: {  	s12 =	sadd.s32 $0x9, s15;
	s13 =	sadd.s32 $0x3400, s13;
	[sflag:s11] =	ssyncset.done $0x0  }
0x35: {  	[sflag:s11] =	ssyncadd.s32 $0xFFFFF000  }
0x36: {  	[hbm4b:s6+s2] =	stream.linear.scatter [tilespmem:s13], [sflag:s12], $0x1000, $0x38;
	[tilespmem:$0xB400] =	vst v63  }
0x37: {  	_ =	swait.ge [sflag:s22], $0x1000  }
0x38: {  	[sflag:s22] =	ssyncset.done $0x0  }
0x39: {  	[sflag:s22] =	ssyncadd.s32 $0xFFFFF000  }
0x3a: {  	_ =	swait.ge [sflag:s23], $0x1000  }
0x3b: {  	[sflag:s23] =	ssyncset.done $0x0  }
0x3c: {  	[sflag:s23] =	ssyncadd.s32 $0xFFFFF000  }
0x3d: {  	_ =	swait.ge [sflag:s24], $0x1000  }
0x3e: {  	[sflag:s24] =	ssyncset.done $0x0  }
0x3f: {  	[sflag:s24] =	ssyncadd.s32 $0xFFFFF000  }
0x40: {  	_ =	swait.ge [sflag:s25], $0x1000  }
0x41: {  	[sflag:s25] =	ssyncset.done $0x0  }
0x42: {  	[sflag:s25] =	ssyncadd.s32 $0xFFFFF000  }
0x43: {  	_ =	swait.ge [sflag:s26], $0x1000  }
0x44: {  	[sflag:s26] =	ssyncset.done $0x0  }
0x45: {  	[sflag:s26] =	ssyncadd.s32 $0xFFFFF000  }
0x46: {  	_ =	swait.ge [sflag:s28], $0x1000  }
0x47: {  	[sflag:s28] =	ssyncset.done $0x0  }
0x48: {  	s31 =	sadd.s32 $0x1, s31;
	[sflag:s28] =	ssyncadd.s32 $0xFFFFF000  }
0x49: {  	p0 =	sne.s32 s31, s5;
	_ =	swait.ge [sflag:s29], $0x1000  }
.Ltmp1:
0x4a: {  	[sflag:s29] =	ssyncset.done $0x0;
	(pc) =	sbr.rel @p0 .LBB2_1-.Ltmp1, $4  }
0x4b: {  	[sflag:s29] =	ssyncadd.s32 $0xFFFFF000  }
0x4c: {  	_ =	swait.ge [sflag:s30], $0x1000  }
0x4d: {  	[sflag:s30] =	ssyncset.done $0x0  }
0x4e: {  	[sflag:s30] =	ssyncadd.s32 $0xFFFFF000  }
0x4f: {  	_ =	sfence.sel $0x180000  }
0x50: {  	[bflag:$0x0] =	sbarrier.arrive $0xFFFF  }
0x51: {  	_ =	strace $0x90000047  }
0x52: {  	s0 =	stileid.u32;
	[bflag:$0x2] =	sbarrier.arrive $0xFFFF  }
0x53: {  	p0 =	sne.s32 s0, $0x0;
	s0 =	rddreg [dreg:$0x2]  }
0x54: {  	s0 =	sadd.s32 @!p0 $0x100000, s0  }
0x55: {  	[sflag:s0] =	ssyncadd.tile.s32 @!p0 $0x1;
	_ =	shalt  }
.Lfunc_end2:
_tile_overlayer_lowered:
.L_overlay_start_2:
0x56: {  	(tag) =	ssettag $0x2  }
0x57: {  	s0 =	rddreg [dreg:$0x0];
	s2 =	stileid.u32  }
0x58: {  	s1 =	rddreg [dreg:$0x1];
	p0 =	sne.s32 s2, $0x0  }
0x59: {  	s3 =	rddreg [dreg:$0x2];
	[bflag:$0x3] =	sbarrier.arrive $0xFFFF;
	s2 =	simm.s32 @!p0 $0x1C11  }
0x5a: {  	[timem:s3], [sflag:s2] =	dma.local @!p0 [hbm:s0], s1  }
0x5b: {  	s0 =	simm.s32 @!p0 $0x11  }
0x5c: {  	_ =	swait.ge @!p0 [sflag:s0], s1  }
0x5d: {  	s1 =	ssub.s32 @!p0 $0x0, s1;
	[sflag:s0] =	ssyncset.done @!p0 $0x0  }
0x5e: {  	[sflag:s0] =	ssyncadd.s32 @!p0 s1  }
0x5f: {  	[bflag:$0x3] =	sbarrier.arrive $0xFFFF  }
0x60: {  	_ =	shalt  }

// kernel: sparse-core-data-format-call.cloned.1.call-start
scs
called_computation_lowered:
.L_overlay_start_0:
0x0: {  	s2 =	sld [smem:$0x3FD9]  }
0x1: {  	s3 =	sld [smem:$0x3FFE];
	_ =	sdelay $0x1  }
0x2: {  	s1 =	srdreg.scid  }
0x3: {  	s0 =	sand.u32 $0x1, s1  }
0x4: {  	s18 =	sshll.u32 s0, $0xA;
	s2 =	sadd.s32 s3, s2  }
0x5: {  	s2 =	sadd.s32 s2, s18  }
0x6: {  	[smem:$0x3FC6] =	sst s2  }
0x7: {  	_ = 	snop  }
0x8: {  	s2 =	sld [smem:$0x3FD0];
	(tm) =	ssettm $0x1  }
0x9: {  	s19 =	sld [smem:$0x3FFB];
	_ =	sdelay $0x3  }
0xa: {  	_ =	strace s19  }
0xb: {  	s3 =	sld [smem:$0x3FFC];
	_ =	sdelay $0x3  }
0xc: {  	_ =	strace s3  }
0xd: {  	s3 =	sld [smem:$0x3FFD];
	_ =	sdelay $0x3  }
0xe: {  	_ =	strace s3  }
0xf: {  	_ =	strace $0x8FFFFFFF  }
0x10: {  	s20 =	sld [smem:$0x3FDB];
	_ =	sdelay $0x1  }
0x11: {  	s4 =	simm.s32 $_scs_section_size  }
0x12: {  	s5 =	simm.s32 $_size__tile_overlayer_lowered;
	s6 =	simm.s32 $_tile_overlayer_lowered  }
0x13: {  	s23 =	simm.s32 $0x1BFF;
	s22 =	sshll.u32 s6, $0x1;
	s3 =	sadd.s32 s4, s20  }
0x14: {  	s7 =	simm.s32 $0x0;
	s21 =	sshll.u32 s5, $0x1;
	s5 =	sadd.s32 s22, s3  }
0x15: {  	[timem:s7], [sflag:s23] =	dma.local [hbm:s5], s21  }
0x16: {  	_ =	swait.ge [sflag:s23], s21  }
0x17: {  	s4 =	ssub.s32 $0x0, s21;
	[sflag:s23] =	ssyncset.done $0x0  }
0x18: {  	[sflag:s23] =	ssyncadd.s32 s4;
	_ =	sdelay $0x1  }
0x19: {  	s24 =	simm.s32 $0x1B8B  }
0x1a: {  	_ =	swait.ge [sflag:s24], $0x1  }
0x1b: {  	[sflag:s24] =	ssyncset.done $0x0  }
0x1c: {  	s26 =	simm.s32 $0x1B8E;
	s25 =	sld [smem:$0x3FFE];
	[sflag:s24] =	ssyncadd.s32 $0xFFFFFFFF  }
0x1d: {  	s27 =	simm.s32 $execute0_lowered;
	[smem:$0x3FD2] =	sst s26  }
0x1e: {  	s5 =	sshll.u32 s27, $0x1;
	_ =	strace $0x80000049;
	[dreg:$0x1] =	wrdreg $0xFFFFFFFF  }
0x1f: {  	s28 =	simm.s32 $_size_execute0_lowered;
	s3 =	sadd.s32 s3, s5;
	[dreg:$0x0] =	wrdreg $0x0  }
0x20: {  	s5 =	sshll.u32 s28, $0x1;
	[dreg:$0x2] =	wrdreg s3  }
0x21: {  	[dreg:$0x3] =	wrdreg s5  }
0x22: {  	[dreg:$0x4] =	wrdreg $0xC0  }
0x23: {  	_ =	task [dreg:s7], $0x5FFFF  }
0x24: {  	[dreg:$0x1] =	wrdreg $0xFFFFFFFF  }
0x25: {  	[dreg:$0x0] =	wrdreg $0x60  }
0x26: {  	[dreg:$0x2] =	wrdreg s25  }
0x27: {  	[dreg:$0x3] =	wrdreg s2  }
0x28: {  	[dreg:$0x4] =	wrdreg $0x9  }
0x29: {  	_ =	task.clear_ibuf [dreg:s7], $0x5FFFF;
	_ =	strace $0x90000049  }
0x2a: {  	s29 =	simm.s32 $0x9;
	_ =	strace $0x8000004B  }
0x2b: {  	_ =	swait.ge [sflag:s29], $0x1  }
0x2c: {  	[sflag:s29] =	ssyncadd.s32 $0xFFFFFFFF  }
0x2d: {  	_ =	strace $0x9000004B  }
0x2e: {  	_ =	sfence  }
0x2f: {  	s30 =	sld [smem:$0x0];
	_ =	sdelay $0x2  }
0x30: {  	s31 =	sshll.u32 s1, $0xD;
	s1 =	sshrl.u32 s1, $0x2  }
0x31: {  	s3 =	sand.u32 $0x4000, s31;
	s1 =	sadd.s32 s1, s30  }
0x32: {  	s0 =	sor.u32 s3, s0;
	s1 =	sshll.u32 s1, $0x11  }
0x33: {  	s0 =	sor.u32 s1, s0  }
0x34: {  	s0 =	sadd.s32 $0x8F2B, s0  }
0x35: {  	[sflag:s0] =	ssyncadd.remote.s32 $0x1  }
0x36: {  	_ =	sfence.sel $0xFFFF  }
0x37: {  	[dreg:$0x0] =	wrdreg $0xFFFFFFFF;
	(pc) =	sbr.abs _section_cstart, $3  }
0x38: {  	[dreg:$0x1] =	wrdreg $0xFFFFFFFF  }
0x39: {  	_ =	task.clear_ibuf [dreg:s7], $0x2FFFF;
	_ =	strace $0x9FFFFFFF  }
0x3a: {  	(tm) =	ssettm $0x7FFFFFFF  }
0x3b: {  	_ =	shalt  }
tec
execute0_lowered:
.L_overlay_start_1:
0x0: {  	(tag) =	ssettag $0x1  }
0x1: {  	s0 =	srdreg.scid  }
0x2: {  	s1 =	sshll.u32 s0, $0x4  }
0x3: {  	s0 =	stileid.u32;
	s1 =	sand.u32 $0x10, s1  }
0x4: {  	s1 =	sor.u32 s0, s1  }
0x5: {  	s6 =	rddreg [dreg:$0x0];
	s4 =	simm.s32 $0x1;
	s2 =	sshll.u32 s1, $0x7  }
0x6: {  	s7 =	simm.s32 $0x2;
	s12 =	simm.s32 $0x0;
	s1 =	ssub.s32 $0x4000, s2  }
0x7: {  	s8 =	simm.s32 $0x20000;
	s13 =	simm.s32 $0x0;
	s3 =	sand.u32 $0xF80, s1  }
0x8: {  	s9 =	simm.s32 $0x0;
	s5 =	sshrl.u32 s1, $0xC;
	p0 =	sne.s32 s3, $0x0  }
.Ltmp0:
0x9: {  	s1 =	rddreg [dreg:$0x2];
	s4 =	simm.s32 @!p0 $0x0;
	(pc) =	sbr.rel .LBB1_1-.Ltmp0, $4  }
0xa: {  	s11 =	simm.s32 $0x0;
	s3 =	rddreg [dreg:$0x1];
	s5 =	sadd.s32 s4, s5  }
0xb: {  	_ =	strace $0x8000004A;
	s4 =	simm.s32 $0x1;
	s5 =	smul.u32 $0x1A, s5  }
0xc: {  	s6 =	sadd.s32 $0xA00, s6;
	s10 =	smov.u32 s2;
	[sflag:s4] =	ssyncpa.u1 $0x0  }
0xd: {  	p0 =	por $0x0, $0x0;
	[sflag:s7] =	ssyncpa.u1 $0x0;
	s7 =	sor.u32 $0x1, s5  }
.LBB1_4:
0xe: {  	s16 =	sshll.u32 s13, $0x3;
	s17 =	sand.u32 $0x78, s13  }
0xf: {  	s30 =	sand.u32 $0xF800, s13;
	s12 =	sshll.u32 s12, $0x10;
	s16 =	sand.u32 $0x3C00, s16  }
0x10: {  	s31 =	sand.u32 $0x7, s13;
	s16 =	sor.u32 s17, s16;
	s17 =	sadd.s32 s3, s30  }
0x11: {  	s13 =	sshll.u32 s31, $0x12;
	s16 =	sshrl.u32 s16, $0x3;
	s12 =	sadd.s32 s12, s17  }
0x12: {  	[tilespmem:s15+$0x0 ss:$0x81] =	vst.msk $0xffff, v0;
	s13 =	sor.u32 $0x400, s13;
	s12 =	sadd.s32 s16, s12  }
0x13: {  	[hbm4b:s12+s13] =	stream.strided.scatter [tilespmem:s14], [sflag:$0x2], $0x1000, s8, s13, $0x20;
	[tilespmem:$0x4040] =	vst v63  }
.LBB1_5:
0x14: {  	s14 =	sadd.s32 $0x1, s9  }
0x15: {  	s12 =	sadd.s32 $0x1000, s10;
	s16 =	smov.u32 s10;
	p2 =	sgt.s32 s14, $0x19  }
0x16: {  	s16 =	smov.u32 @p2 s12  }
0x17: {  	s14 =	simm.s32 @p2 $0x0;
	p2 =	sgt.s32 s16, $0x3FFF  }
0x18: {  	s16 =	smov.u32 @p2 s2;
	p2 =	sne.s32 s11, s7  }
.Ltmp1:
0x19: {  	p1 =	slt.u32 s11, $0x2;
	(pc) =	sbr.rel @!p2 .LBB1_6-.Ltmp1, $4  }
0x1a: {  	s15 =	simm.s32 @!p1 $0x2  }
0x1b: {  	s13 =	smov.u32 s10;
	p0 =	por !p0, !p0;
	_ =	swait.ge @!p1 [sflag:s15], $0x1000  }
0x1c: {  	s12 =	smov.u32 s9;
	[sflag:s15] =	ssyncset.done @!p1 $0x0;
	s9 =	smov.u32 s14  }
0x1d: {  	s11 =	sadd.s32 $0x1, s11;
	[sflag:s15] =	ssyncadd.s32 @!p1 $0xFFFFF000;
	s10 =	smov.u32 s16  }
.LBB1_1:
0x1e: {  	p1 =	sge.u32 s11, s5  }
0x1f: {  	s31 =	sadd.s32 $0xFFFFFFFF, s11;
	s14 =	sxor.u32 @!p1 $0xFFFFFFFF, s11  }
0x20: {  	s15 =	sshll.u32 @!p1 s10, $0x9;
	s16 =	sshll.u32 @!p1 s9, $0x4;
	s17 =	simm.s32 @!p1 $0x1000  }
0x21: {  	s14 =	sshll.u32 @!p1 s14, $0xC;
	s16 =	sand.u32 @!p1 $0x1F0, s16;
	s15 =	sadd.s32 @!p1 s6, s15  }
0x22: {  	s14 =	sand.u32 @!p1 $0x1000, s14;
	s15 =	sadd.s32 @!p1 s16, s15;
	s16 =	simm.s32 @!p1 $0x20  }
0x23: {  	[tilespmem:s14], [sflag:$0x1] =	stream.strided.gather @!p1 [hbm4b:s15+s16], $0x1000, s17, s16, $0x38;
	[tilespmem:$0x4040] =	vst v63  }
0x24: {  	p1 =	sge.u32 s31, s5  }
.Ltmp2:
0x25: {  	_ = 	snop;
	(pc) =	sbr.rel @p1 .LBB1_5-.Ltmp2, $1  }
0x26: {  	_ =	sdelay $0x3  }
0x27: {  	s14 =	simm.s32 $0x1  }
0x28: {  	_ =	swait.ge [sflag:s4], $0x1000;
	s14 =	simm.s32 @!p0 $0x0  }
0x29: {  	[sflag:s4] =	ssyncset.done $0x0;
	s15 =	sshll.u32 s14, $0xC  }
0x2a: {  	[sflag:s4] =	ssyncadd.s32 $0xFFFFF000;
	s18 =	sor.u32 $0x10, s15  }
0x2b: {  	s14 =	smul.u32 $0x4080, s14;
	v1 =	vld [tilespmem:s18+$0x0]  }
0x2c: {  	s30 =	sand.u32 $0x1, s11;
	v0 =	vld [tilespmem:s18+$0xFFFFFFF0]  }
0x2d: {  	s15 =	smul.u32 $0x4080, s30;
	s14 =	sshrl.u32 s14, $0x2  }
0x2e: {  	s16 =	sor.u32 $0x2000, s14  }
0x2f: {  	s31 =	sshrl.u32 s15, $0x2;
	s15 =	sadd.s32 $0x0, s16  }
0x30: {  	s17 =	simm.s32 $0x4;
	s18 =	sadd.s32 $0x20, s18;
	s14 =	sor.u32 $0x2000, s31;
	[tilespmem:s15+$0x810 ss:$0x81] =	vst.msk $0xffff, v1  }
.LBB1_3:
0x31: {  	v1 =	vld [tilespmem:s18+$0x0];
	p1 =	sne.s32 s17, $0x1FC;
	[tilespmem:s15+$0x0 ss:$0x81] =	vst.msk $0xffff, v0;
	s15 =	smov.u32 s17;
	s17 =	sadd.s32 $0x4, s17  }
.Ltmp3:
0x32: {  	v0 =	vld [tilespmem:s18+$0xFFFFFFF0];
	(pc) =	sbr.rel @p1 .LBB1_3-.Ltmp3, $4  }
0x33: {  	_ = 	snop  }
0x34: {  	s15 =	sshra.s32 s15, $0x2  }
0x35: {  	s15 =	sadd.s32 s15, s16  }
0x36: {  	s18 =	sadd.s32 $0x20, s18;
	[tilespmem:s15+$0x810 ss:$0x81] =	vst.msk $0xffff, v1  }
.Ltmp4:
0x37: {  	_ = 	snop;
	(pc) =	sbr.rel .LBB1_4-.Ltmp4, $1  }
0x38: {  	_ =	sdelay $0x3  }
.LBB1_6:
0x39: {  	_ =	sfence.sel $0x180000  }
0x3a: {  	s2 =	simm.s32 $0x1;
	[bflag:$0x0] =	sbarrier.arrive $0xFFFF  }
0x3b: {  	s31 =	simm.s32 $0x2;
	[sflag:s2] =	ssyncpa.u1 $0x1  }
0x3c: {  	[sflag:s31] =	ssyncpa.u1 $0x1  }
0x3d: {  	p0 =	sne.s32 s0, $0x0;
	_ =	strace $0x9000004A  }
0x3e: {  	s0 =	sadd.s32 @!p0 $0x100000, s1;
	[bflag:$0x2] =	sbarrier.arrive $0xFFFF  }
0x3f: {  	[sflag:s0] =	ssyncadd.tile.s32 @!p0 $0x1;
	_ =	shalt  }
.Lfunc_end1:
_tile_overlayer_lowered:
.L_overlay_start_2:
0x40: {  	(tag) =	ssettag $0x2  }
0x41: {  	s0 =	rddreg [dreg:$0x0];
	s2 =	stileid.u32  }
0x42: {  	s1 =	rddreg [dreg:$0x1];
	p0 =	sne.s32 s2, $0x0  }
0x43: {  	s3 =	rddreg [dreg:$0x2];
	[bflag:$0x3] =	sbarrier.arrive $0xFFFF;
	s2 =	simm.s32 @!p0 $0x1C01  }
0x44: {  	[timem:s3], [sflag:s2] =	dma.local @!p0 [hbm:s0], s1  }
0x45: {  	s0 =	simm.s32 @!p0 $0x1  }
0x46: {  	_ =	swait.ge @!p0 [sflag:s0], s1  }
0x47: {  	s1 =	ssub.s32 @!p0 $0x0, s1;
	[sflag:s0] =	ssyncset.done @!p0 $0x0  }
0x48: {  	[sflag:s0] =	ssyncadd.s32 @!p0 s1  }
0x49: {  	[bflag:$0x3] =	sbarrier.arrive $0xFFFF  }
0x4a: {  	_ =	shalt  }

</sc_bundles>
